<compile_context>
chip_gen: v7x
topology: tpu7x:2x2x1
jax: 0.10.2.dev20260603
libtpu: 0.0.44.dev20260713+nightly
codegen_flags: <defaults>
</compile_context>

<pallas_src>
import jax
import jax.numpy as jnp
from jax import lax
from jax.experimental import pallas as pl
from jax.experimental.pallas import tpu as pltpu
from jax.experimental.pallas import tpu_sc as plsc

B, S = 4, 4096
D_MODEL = 1024
N_TOK = B * S

_info = plsc.get_sparse_core_info()
NC, NS = _info.num_cores, _info.num_subcores
NW = NC * NS
ROWS_PER_W = N_TOK // NW
W_PER_ROW = S // ROWS_PER_W
CHUNK = 16
NBUF = 7

_SCHED = []
_off = 0
while _off < ROWS_PER_W:
    _SCHED.append((_off, min(CHUNK, ROWS_PER_W - _off)))
    _off += CHUNK
N_CHUNKS = len(_SCHED)


def _emb_kernel(table_hbm, idx_hbm, out_hbm, idx_v, *rest):
    bufs = rest[:NBUF]
    gsems = rest[NBUF:2 * NBUF]
    osems = rest[2 * NBUF:3 * NBUF]
    wid = lax.axis_index("s") * NC + lax.axis_index("c")
    pltpu.sync_copy(
        idx_hbm.at[wid // W_PER_ROW,
                   pl.ds((wid % W_PER_ROW) * ROWS_PER_W, ROWS_PER_W)],
        idx_v)
    base = wid * ROWS_PER_W

    def gather(g):
        b = g % NBUF
        off, n = _SCHED[g]
        dst = bufs[b] if n == CHUNK else bufs[b].at[pl.ds(0, n)]
        return pltpu.async_copy(
            table_hbm.at[idx_v.at[pl.ds(off, n)]], dst, gsems[b])

    gathers = [None] * N_CHUNKS
    outs = [None] * N_CHUNKS
    for h in range(min(NBUF - 1, N_CHUNKS)):
        gathers[h] = gather(h)
    for g in range(N_CHUNKS):
        b = g % NBUF
        off, n = _SCHED[g]
        gathers[g].wait()
        src = bufs[b] if n == CHUNK else bufs[b].at[pl.ds(0, n)]
        outs[g] = pltpu.async_copy(
            src, out_hbm.at[pl.ds(base + off, n)], osems[b])
        h = g + NBUF - 1
        if h < N_CHUNKS:
            if h >= NBUF:
                outs[h - NBUF].wait()
            gathers[h] = gather(h)
    for g in range(max(0, N_CHUNKS - NBUF), N_CHUNKS):
        if outs[g] is not None:
            outs[g].wait()


def kernel(tokens, W_E):
    mesh = plsc.VectorSubcoreMesh(core_axis_name="c", subcore_axis_name="s")
    scratch = (
        [pltpu.VMEM((ROWS_PER_W,), jnp.int32)]
        + [pltpu.VMEM((CHUNK, D_MODEL), jnp.float32) for _ in range(NBUF)]
        + [pltpu.SemaphoreType.DMA for _ in range(2 * NBUF)]
    )
    out = pl.kernel(
        _emb_kernel,
        mesh=mesh,
        out_type=jax.ShapeDtypeStruct((N_TOK, D_MODEL), jnp.float32),
        scratch_types=scratch,
    )(W_E, tokens)
    return out.reshape(B, S, D_MODEL)

# --- scband reference (transcript-rebuilt; emitter-appended) ---
"""Pipeline reference for scband-embedding-8237747274425 (READ-ONLY COPY).

The authoritative reference and input builder live on the scoring server;
editing this copy changes nothing except your own understanding.
"""

import jax, jax.numpy as jnp
import numpy as np

D_VOCAB = 100000
D_MODEL = 1024
INIT_RANGE = 0.02

def setup_inputs(seed: int = 0) -> dict:
    key = jax.random.key(seed)
    k_tok, k_w = jax.random.split(key)
    tokens = jax.random.randint(k_tok, (4, 4096), 0, D_VOCAB, dtype=jnp.int64 if jax.config.jax_enable_x64 else jnp.int32)
    W_E = jax.random.normal(k_w, (D_VOCAB, D_MODEL), dtype=jnp.float32) * INIT_RANGE
    return {"tokens": tokens, "W_E": W_E}

def reference(tokens, W_E):
    # Embedding lookup: out[b, s, :] = W_E[tokens[b, s], :]
    return jnp.take(W_E, tokens, axis=0)

if __name__ == "__main__":
    import jax
    _d = setup_inputs()
    print(jax.jit(kernel)(*tuple(_d.values())))

</pallas_src>

<mosaic_0001>
#map = affine_map<(d0, d1) -> (0, 0)>
module attributes {stable_mosaic.version = 14 : i64} {
  func.func @_emb_kernel(%arg0: i32, %arg1: i32, %arg2: memref<100000x1024xf32, #tpu.memory_space<hbm>>, %arg3: memref<4x4096xi32, #tpu.memory_space<hbm>>, %arg4: memref<16384x1024xf32, #tpu.memory_space<hbm>>, %arg5: memref<512xi32, #tpu.memory_space<vmem>>, %arg6: memref<16x1024xf32, #tpu.memory_space<vmem>>, %arg7: memref<16x1024xf32, #tpu.memory_space<vmem>>, %arg8: memref<16x1024xf32, #tpu.memory_space<vmem>>, %arg9: memref<16x1024xf32, #tpu.memory_space<vmem>>, %arg10: memref<16x1024xf32, #tpu.memory_space<vmem>>, %arg11: memref<16x1024xf32, #tpu.memory_space<vmem>>, %arg12: memref<16x1024xf32, #tpu.memory_space<vmem>>, %arg13: memref<!tpu.dma_semaphore, #tpu.memory_space<semaphore_mem>>, %arg14: memref<!tpu.dma_semaphore, #tpu.memory_space<semaphore_mem>>, %arg15: memref<!tpu.dma_semaphore, #tpu.memory_space<semaphore_mem>>, %arg16: memref<!tpu.dma_semaphore, #tpu.memory_space<semaphore_mem>>, %arg17: memref<!tpu.dma_semaphore, #tpu.memory_space<semaphore_mem>>, %arg18: memref<!tpu.dma_semaphore, #tpu.memory_space<semaphore_mem>>, %arg19: memref<!tpu.dma_semaphore, #tpu.memory_space<semaphore_mem>>, %arg20: memref<!tpu.dma_semaphore, #tpu.memory_space<semaphore_mem>>, %arg21: memref<!tpu.dma_semaphore, #tpu.memory_space<semaphore_mem>>, %arg22: memref<!tpu.dma_semaphore, #tpu.memory_space<semaphore_mem>>, %arg23: memref<!tpu.dma_semaphore, #tpu.memory_space<semaphore_mem>>, %arg24: memref<!tpu.dma_semaphore, #tpu.memory_space<semaphore_mem>>, %arg25: memref<!tpu.dma_semaphore, #tpu.memory_space<semaphore_mem>>, %arg26: memref<!tpu.dma_semaphore, #tpu.memory_space<semaphore_mem>>) attributes {dimension_semantics = [#tpu.dimension_semantics<core_parallel>, #tpu.dimension_semantics<subcore_parallel>], iteration_bounds = array<i64: 2, 16>, scalar_prefetch = 0 : i64, scratch_operands = 22 : i64, tpu.core_type = #tpu.core_type<sc_vector_subcore>, window_params = [{transform_indices = #map}, {transform_indices = #map}, {transform_indices = #map}]} {
    %mul3A = arith.constant 2 : i32
    %mul3A_0 = arith.muli %arg1, %mul3A : i32
    %add3A = arith.addi %mul3A_0, %arg0 : i32
    %jit3A = arith.constant 8 : i32
    %div3A = arith.divsi %add3A, %jit3A : i32
    %sign3A = arith.constant 0 : i32
    %sign3A_1 = arith.cmpi sgt, %add3A, %sign3A : i32
    %sign3A_2 = arith.extui %sign3A_1 : i1 to i32
    %sign3A_3 = arith.constant 0 : i32
    %sign3A_4 = arith.cmpi slt, %add3A, %sign3A_3 : i32
    %sign3A_5 = arith.extui %sign3A_4 : i1 to i32
    %sign3A_6 = arith.subi %sign3A_2, %sign3A_5 : i32
    %sign3A_7 = arith.constant 0 : i32
    %sign3A_8 = arith.cmpi sgt, %jit3A, %sign3A_7 : i32
    %sign3A_9 = arith.extui %sign3A_8 : i1 to i32
    %sign3A_10 = arith.constant 0 : i32
    %sign3A_11 = arith.cmpi slt, %jit3A, %sign3A_10 : i32
    %sign3A_12 = arith.extui %sign3A_11 : i1 to i32
    %sign3A_13 = arith.subi %sign3A_9, %sign3A_12 : i32
    %ne3A = arith.cmpi ne, %sign3A_6, %sign3A_13 : i32
    %rem3A = arith.remsi %add3A, %jit3A : i32
    %ne3A_14 = arith.constant 0 : i32
    %ne3A_15 = arith.cmpi ne, %rem3A, %ne3A_14 : i32
    %and3A = arith.andi %ne3A, %ne3A_15 : i1
    %sub3A = arith.constant 1 : i32
    %sub3A_16 = arith.subi %div3A, %sub3A : i32
    %select_n3A = arith.select %and3A, %sub3A_16, %div3A : i32
    %jit3A_17 = arith.constant 8 : i32
    %eq3A = arith.constant 0 : i32
    %eq3A_18 = arith.cmpi eq, %jit3A_17, %eq3A : i32
    %jit3A_19 = arith.constant 1 : i32
    %select_n3A_20 = arith.select %eq3A_18, %jit3A_19, %jit3A_17 : i32
    %rem3A_21 = arith.remsi %add3A, %select_n3A_20 : i32
    %ne3A_22 = arith.constant 0 : i32
    %ne3A_23 = arith.cmpi ne, %rem3A_21, %ne3A_22 : i32
    %lt3A = arith.constant 0 : i32
    %lt3A_24 = arith.cmpi slt, %rem3A_21, %lt3A : i32
    %lt3A_25 = arith.constant 0 : i32
    %lt3A_26 = arith.cmpi slt, %select_n3A_20, %lt3A_25 : i32
    %ne3A_27 = arith.xori %lt3A_24, %lt3A_26 : i1
    %and3A_28 = arith.andi %ne3A_27, %ne3A_23 : i1
    %add3A_29 = arith.addi %rem3A_21, %select_n3A_20 : i32
    %select_n3A_30 = arith.select %and3A_28, %add3A_29, %rem3A_21 : i32
    %mul3A_31 = arith.constant 512 : i32
    %mul3A_32 = arith.muli %select_n3A_30, %mul3A_31 : i32
    "tpu.region"() ({
      %run_scoped3A = tpu.sem_alloc : memref<!tpu.dma_semaphore, #tpu.memory_space<semaphore_mem>>
      %dma_start3A_673 = tpu.memref_slice %arg3[%select_n3A, %mul3A_32] : memref<4x4096xi32, #tpu.memory_space<hbm>> -> memref<1x512xi32, #tpu.memory_space<hbm>>
      %dma_start3A_674 = tpu.memref_squeeze %dma_start3A_673 : memref<1x512xi32, #tpu.memory_space<hbm>> -> memref<512xi32, #tpu.memory_space<hbm>>
      %dma_start3A_675 = tpu.memref_slice %arg3[%select_n3A, %mul3A_32] : memref<4x4096xi32, #tpu.memory_space<hbm>> -> memref<1x512xi32, #tpu.memory_space<hbm>>
      %dma_start3A_676 = tpu.memref_squeeze %dma_start3A_675 : memref<1x512xi32, #tpu.memory_space<hbm>> -> memref<512xi32, #tpu.memory_space<hbm>>
      tpu.enqueue_dma source(%dma_start3A_676 : memref<512xi32, #tpu.memory_space<hbm>>) target(%arg5 : memref<512xi32, #tpu.memory_space<vmem>>) target_semaphore(%run_scoped3A : memref<!tpu.dma_semaphore, #tpu.memory_space<semaphore_mem>>)
      %dma_wait3A_677 = tpu.memref_slice %arg3[%select_n3A, %mul3A_32] : memref<4x4096xi32, #tpu.memory_space<hbm>> -> memref<1x512xi32, #tpu.memory_space<hbm>>
      %dma_wait3A_678 = tpu.memref_squeeze %dma_wait3A_677 : memref<1x512xi32, #tpu.memory_space<hbm>> -> memref<512xi32, #tpu.memory_space<hbm>>
      %dma_wait3A_679 = tpu.memref_slice %arg3[%select_n3A, %mul3A_32] : memref<4x4096xi32, #tpu.memory_space<hbm>> -> memref<1x512xi32, #tpu.memory_space<hbm>>
      %dma_wait3A_680 = tpu.memref_squeeze %dma_wait3A_679 : memref<1x512xi32, #tpu.memory_space<hbm>> -> memref<512xi32, #tpu.memory_space<hbm>>
      tpu.wait_dma2 semaphore(%run_scoped3A : memref<!tpu.dma_semaphore, #tpu.memory_space<semaphore_mem>>) src(%dma_wait3A_680 : memref<512xi32, #tpu.memory_space<hbm>>) dst(%arg5 : memref<512xi32, #tpu.memory_space<vmem>>)
      tpu.yield
    }) : () -> ()
    %mul3A_33 = arith.constant 512 : i32
    %mul3A_34 = arith.muli %add3A, %mul3A_33 : i32
    %dma_start3A = arith.constant 0 : i32
    %dma_start3A_35 = tpu.memref_slice %arg5[%dma_start3A] : memref<512xi32, #tpu.memory_space<vmem>> -> memref<16xi32, #tpu.memory_space<vmem>>
    %dma_start3A_36 = arith.constant 0 : i32
    %dma_start3A_37 = arith.constant 0 : i32
    %dma_start3A_38 = tpu.memref_slice %arg2[%dma_start3A_36, %dma_start3A_37] : memref<100000x1024xf32, #tpu.memory_space<hbm>> -> memref<100000x1024xf32, #tpu.memory_space<hbm>>
    tpu.enqueue_indirect_dma source(%dma_start3A_38 : memref<100000x1024xf32, #tpu.memory_space<hbm>>) target(%arg6 : memref<16x1024xf32, #tpu.memory_space<vmem>>) offsets(%dma_start3A_35 : memref<16xi32, #tpu.memory_space<vmem>>) semaphore(%arg13 : memref<!tpu.dma_semaphore, #tpu.memory_space<semaphore_mem>>)
    %dma_start3A_39 = arith.constant 16 : i32
    %dma_start3A_40 = tpu.memref_slice %arg5[%dma_start3A_39] : memref<512xi32, #tpu.memory_space<vmem>> -> memref<16xi32, #tpu.memory_space<vmem>>
    %dma_start3A_41 = arith.constant 0 : i32
    %dma_start3A_42 = arith.constant 0 : i32
    %dma_start3A_43 = tpu.memref_slice %arg2[%dma_start3A_41, %dma_start3A_42] : memref<100000x1024xf32, #tpu.memory_space<hbm>> -> memref<100000x1024xf32, #tpu.memory_space<hbm>>
    tpu.enqueue_indirect_dma source(%dma_start3A_43 : memref<100000x1024xf32, #tpu.memory_space<hbm>>) target(%arg7 : memref<16x1024xf32, #tpu.memory_space<vmem>>) offsets(%dma_start3A_40 : memref<16xi32, #tpu.memory_space<vmem>>) semaphore(%arg14 : memref<!tpu.dma_semaphore, #tpu.memory_space<semaphore_mem>>)
    %dma_start3A_44 = arith.constant 32 : i32
    %dma_start3A_45 = tpu.memref_slice %arg5[%dma_start3A_44] : memref<512xi32, #tpu.memory_space<vmem>> -> memref<16xi32, #tpu.memory_space<vmem>>
    %dma_start3A_46 = arith.constant 0 : i32
    %dma_start3A_47 = arith.constant 0 : i32
    %dma_start3A_48 = tpu.memref_slice %arg2[%dma_start3A_46, %dma_start3A_47] : memref<100000x1024xf32, #tpu.memory_space<hbm>> -> memref<100000x1024xf32, #tpu.memory_space<hbm>>
    tpu.enqueue_indirect_dma source(%dma_start3A_48 : memref<100000x1024xf32, #tpu.memory_space<hbm>>) target(%arg8 : memref<16x1024xf32, #tpu.memory_space<vmem>>) offsets(%dma_start3A_45 : memref<16xi32, #tpu.memory_space<vmem>>) semaphore(%arg15 : memref<!tpu.dma_semaphore, #tpu.memory_space<semaphore_mem>>)
    %dma_start3A_49 = arith.constant 48 : i32
    %dma_start3A_50 = tpu.memref_slice %arg5[%dma_start3A_49] : memref<512xi32, #tpu.memory_space<vmem>> -> memref<16xi32, #tpu.memory_space<vmem>>
    %dma_start3A_51 = arith.constant 0 : i32
    %dma_start3A_52 = arith.constant 0 : i32
    %dma_start3A_53 = tpu.memref_slice %arg2[%dma_start3A_51, %dma_start3A_52] : memref<100000x1024xf32, #tpu.memory_space<hbm>> -> memref<100000x1024xf32, #tpu.memory_space<hbm>>
    tpu.enqueue_indirect_dma source(%dma_start3A_53 : memref<100000x1024xf32, #tpu.memory_space<hbm>>) target(%arg9 : memref<16x1024xf32, #tpu.memory_space<vmem>>) offsets(%dma_start3A_50 : memref<16xi32, #tpu.memory_space<vmem>>) semaphore(%arg16 : memref<!tpu.dma_semaphore, #tpu.memory_space<semaphore_mem>>)
    %dma_start3A_54 = arith.constant 64 : i32
    %dma_start3A_55 = tpu.memref_slice %arg5[%dma_start3A_54] : memref<512xi32, #tpu.memory_space<vmem>> -> memref<16xi32, #tpu.memory_space<vmem>>
    %dma_start3A_56 = arith.constant 0 : i32
    %dma_start3A_57 = arith.constant 0 : i32
    %dma_start3A_58 = tpu.memref_slice %arg2[%dma_start3A_56, %dma_start3A_57] : memref<100000x1024xf32, #tpu.memory_space<hbm>> -> memref<100000x1024xf32, #tpu.memory_space<hbm>>
    tpu.enqueue_indirect_dma source(%dma_start3A_58 : memref<100000x1024xf32, #tpu.memory_space<hbm>>) target(%arg10 : memref<16x1024xf32, #tpu.memory_space<vmem>>) offsets(%dma_start3A_55 : memref<16xi32, #tpu.memory_space<vmem>>) semaphore(%arg17 : memref<!tpu.dma_semaphore, #tpu.memory_space<semaphore_mem>>)
    %dma_start3A_59 = arith.constant 80 : i32
    %dma_start3A_60 = tpu.memref_slice %arg5[%dma_start3A_59] : memref<512xi32, #tpu.memory_space<vmem>> -> memref<16xi32, #tpu.memory_space<vmem>>
    %dma_start3A_61 = arith.constant 0 : i32
    %dma_start3A_62 = arith.constant 0 : i32
    %dma_start3A_63 = tpu.memref_slice %arg2[%dma_start3A_61, %dma_start3A_62] : memref<100000x1024xf32, #tpu.memory_space<hbm>> -> memref<100000x1024xf32, #tpu.memory_space<hbm>>
    tpu.enqueue_indirect_dma source(%dma_start3A_63 : memref<100000x1024xf32, #tpu.memory_space<hbm>>) target(%arg11 : memref<16x1024xf32, #tpu.memory_space<vmem>>) offsets(%dma_start3A_60 : memref<16xi32, #tpu.memory_space<vmem>>) semaphore(%arg18 : memref<!tpu.dma_semaphore, #tpu.memory_space<semaphore_mem>>)
    %dma_wait3A = arith.constant 0 : i32
    %dma_wait3A_64 = tpu.memref_slice %arg5[%dma_wait3A] : memref<512xi32, #tpu.memory_space<vmem>> -> memref<16xi32, #tpu.memory_space<vmem>>
    %dma_wait3A_65 = arith.constant 0 : i32
    %dma_wait3A_66 = arith.constant 0 : i32
    %dma_wait3A_67 = tpu.memref_slice %arg2[%dma_wait3A_65, %dma_wait3A_66] : memref<100000x1024xf32, #tpu.memory_space<hbm>> -> memref<100000x1024xf32, #tpu.memory_space<hbm>>
    tpu.wait_indirect_dma semaphore(%arg13 : memref<!tpu.dma_semaphore, #tpu.memory_space<semaphore_mem>>) src(%dma_wait3A_67 : memref<100000x1024xf32, #tpu.memory_space<hbm>>) dst(%arg6 : memref<16x1024xf32, #tpu.memory_space<vmem>>)
    %add3A_68 = arith.constant 0 : i32
    %add3A_69 = arith.addi %mul3A_34, %add3A_68 : i32
    %dma_start3A_70 = arith.constant 0 : i32
    %dma_start3A_71 = tpu.memref_slice %arg4[%add3A_69, %dma_start3A_70] : memref<16384x1024xf32, #tpu.memory_space<hbm>> -> memref<16x1024xf32, #tpu.memory_space<hbm>>
    %dma_start3A_72 = arith.constant 0 : i32
    %dma_start3A_73 = tpu.memref_slice %arg4[%add3A_69, %dma_start3A_72] : memref<16384x1024xf32, #tpu.memory_space<hbm>> -> memref<16x1024xf32, #tpu.memory_space<hbm>>
    tpu.enqueue_dma source(%arg6 : memref<16x1024xf32, #tpu.memory_space<vmem>>) target(%dma_start3A_73 : memref<16x1024xf32, #tpu.memory_space<hbm>>) target_semaphore(%arg20 : memref<!tpu.dma_semaphore, #tpu.memory_space<semaphore_mem>>)
    %dma_start3A_74 = arith.constant 96 : i32
    %dma_start3A_75 = tpu.memref_slice %arg5[%dma_start3A_74] : memref<512xi32, #tpu.memory_space<vmem>> -> memref<16xi32, #tpu.memory_space<vmem>>
    %dma_start3A_76 = arith.constant 0 : i32
    %dma_start3A_77 = arith.constant 0 : i32
    %dma_start3A_78 = tpu.memref_slice %arg2[%dma_start3A_76, %dma_start3A_77] : memref<100000x1024xf32, #tpu.memory_space<hbm>> -> memref<100000x1024xf32, #tpu.memory_space<hbm>>
    tpu.enqueue_indirect_dma source(%dma_start3A_78 : memref<100000x1024xf32, #tpu.memory_space<hbm>>) target(%arg12 : memref<16x1024xf32, #tpu.memory_space<vmem>>) offsets(%dma_start3A_75 : memref<16xi32, #tpu.memory_space<vmem>>) semaphore(%arg19 : memref<!tpu.dma_semaphore, #tpu.memory_space<semaphore_mem>>)
    %dma_wait3A_79 = arith.constant 16 : i32
    %dma_wait3A_80 = tpu.memref_slice %arg5[%dma_wait3A_79] : memref<512xi32, #tpu.memory_space<vmem>> -> memref<16xi32, #tpu.memory_space<vmem>>
    %dma_wait3A_81 = arith.constant 0 : i32
    %dma_wait3A_82 = arith.constant 0 : i32
    %dma_wait3A_83 = tpu.memref_slice %arg2[%dma_wait3A_81, %dma_wait3A_82] : memref<100000x1024xf32, #tpu.memory_space<hbm>> -> memref<100000x1024xf32, #tpu.memory_space<hbm>>
    tpu.wait_indirect_dma semaphore(%arg14 : memref<!tpu.dma_semaphore, #tpu.memory_space<semaphore_mem>>) src(%dma_wait3A_83 : memref<100000x1024xf32, #tpu.memory_space<hbm>>) dst(%arg7 : memref<16x1024xf32, #tpu.memory_space<vmem>>)
    %add3A_84 = arith.constant 16 : i32
    %add3A_85 = arith.addi %mul3A_34, %add3A_84 : i32
    %dma_start3A_86 = arith.constant 0 : i32
    %dma_start3A_87 = tpu.memref_slice %arg4[%add3A_85, %dma_start3A_86] : memref<16384x1024xf32, #tpu.memory_space<hbm>> -> memref<16x1024xf32, #tpu.memory_space<hbm>>
    %dma_start3A_88 = arith.constant 0 : i32
    %dma_start3A_89 = tpu.memref_slice %arg4[%add3A_85, %dma_start3A_88] : memref<16384x1024xf32, #tpu.memory_space<hbm>> -> memref<16x1024xf32, #tpu.memory_space<hbm>>
    tpu.enqueue_dma source(%arg7 : memref<16x1024xf32, #tpu.memory_space<vmem>>) target(%dma_start3A_89 : memref<16x1024xf32, #tpu.memory_space<hbm>>) target_semaphore(%arg21 : memref<!tpu.dma_semaphore, #tpu.memory_space<semaphore_mem>>)
    %dma_wait3A_90 = arith.constant 0 : i32
    %dma_wait3A_91 = tpu.memref_slice %arg4[%add3A_69, %dma_wait3A_90] : memref<16384x1024xf32, #tpu.memory_space<hbm>> -> memref<16x1024xf32, #tpu.memory_space<hbm>>
    %dma_wait3A_92 = arith.constant 0 : i32
    %dma_wait3A_93 = tpu.memref_slice %arg4[%add3A_69, %dma_wait3A_92] : memref<16384x1024xf32, #tpu.memory_space<hbm>> -> memref<16x1024xf32, #tpu.memory_space<hbm>>
    tpu.wait_dma2 semaphore(%arg20 : memref<!tpu.dma_semaphore, #tpu.memory_space<semaphore_mem>>) src(%arg6 : memref<16x1024xf32, #tpu.memory_space<vmem>>) dst(%dma_wait3A_93 : memref<16x1024xf32, #tpu.memory_space<hbm>>)
    %dma_start3A_94 = arith.constant 112 : i32
    %dma_start3A_95 = tpu.memref_slice %arg5[%dma_start3A_94] : memref<512xi32, #tpu.memory_space<vmem>> -> memref<16xi32, #tpu.memory_space<vmem>>
    %dma_start3A_96 = arith.constant 0 : i32
    %dma_start3A_97 = arith.constant 0 : i32
    %dma_start3A_98 = tpu.memref_slice %arg2[%dma_start3A_96, %dma_start3A_97] : memref<100000x1024xf32, #tpu.memory_space<hbm>> -> memref<100000x1024xf32, #tpu.memory_space<hbm>>
    tpu.enqueue_indirect_dma source(%dma_start3A_98 : memref<100000x1024xf32, #tpu.memory_space<hbm>>) target(%arg6 : memref<16x1024xf32, #tpu.memory_space<vmem>>) offsets(%dma_start3A_95 : memref<16xi32, #tpu.memory_space<vmem>>) semaphore(%arg13 : memref<!tpu.dma_semaphore, #tpu.memory_space<semaphore_mem>>)
    %dma_wait3A_99 = arith.constant 32 : i32
    %dma_wait3A_100 = tpu.memref_slice %arg5[%dma_wait3A_99] : memref<512xi32, #tpu.memory_space<vmem>> -> memref<16xi32, #tpu.memory_space<vmem>>
    %dma_wait3A_101 = arith.constant 0 : i32
    %dma_wait3A_102 = arith.constant 0 : i32
    %dma_wait3A_103 = tpu.memref_slice %arg2[%dma_wait3A_101, %dma_wait3A_102] : memref<100000x1024xf32, #tpu.memory_space<hbm>> -> memref<100000x1024xf32, #tpu.memory_space<hbm>>
    tpu.wait_indirect_dma semaphore(%arg15 : memref<!tpu.dma_semaphore, #tpu.memory_space<semaphore_mem>>) src(%dma_wait3A_103 : memref<100000x1024xf32, #tpu.memory_space<hbm>>) dst(%arg8 : memref<16x1024xf32, #tpu.memory_space<vmem>>)
    %add3A_104 = arith.constant 32 : i32
    %add3A_105 = arith.addi %mul3A_34, %add3A_104 : i32
    %dma_start3A_106 = arith.constant 0 : i32
    %dma_start3A_107 = tpu.memref_slice %arg4[%add3A_105, %dma_start3A_106] : memref<16384x1024xf32, #tpu.memory_space<hbm>> -> memref<16x1024xf32, #tpu.memory_space<hbm>>
    %dma_start3A_108 = arith.constant 0 : i32
    %dma_start3A_109 = tpu.memref_slice %arg4[%add3A_105, %dma_start3A_108] : memref<16384x1024xf32, #tpu.memory_space<hbm>> -> memref<16x1024xf32, #tpu.memory_space<hbm>>
    tpu.enqueue_dma source(%arg8 : memref<16x1024xf32, #tpu.memory_space<vmem>>) target(%dma_start3A_109 : memref<16x1024xf32, #tpu.memory_space<hbm>>) target_semaphore(%arg22 : memref<!tpu.dma_semaphore, #tpu.memory_space<semaphore_mem>>)
    %dma_wait3A_110 = arith.constant 0 : i32
    %dma_wait3A_111 = tpu.memref_slice %arg4[%add3A_85, %dma_wait3A_110] : memref<16384x1024xf32, #tpu.memory_space<hbm>> -> memref<16x1024xf32, #tpu.memory_space<hbm>>
    %dma_wait3A_112 = arith.constant 0 : i32
    %dma_wait3A_113 = tpu.memref_slice %arg4[%add3A_85, %dma_wait3A_112] : memref<16384x1024xf32, #tpu.memory_space<hbm>> -> memref<16x1024xf32, #tpu.memory_space<hbm>>
    tpu.wait_dma2 semaphore(%arg21 : memref<!tpu.dma_semaphore, #tpu.memory_space<semaphore_mem>>) src(%arg7 : memref<16x1024xf32, #tpu.memory_space<vmem>>) dst(%dma_wait3A_113 : memref<16x1024xf32, #tpu.memory_space<hbm>>)
    %dma_start3A_114 = arith.constant 128 : i32
    %dma_start3A_115 = tpu.memref_slice %arg5[%dma_start3A_114] : memref<512xi32, #tpu.memory_space<vmem>> -> memref<16xi32, #tpu.memory_space<vmem>>
    %dma_start3A_116 = arith.constant 0 : i32
    %dma_start3A_117 = arith.constant 0 : i32
    %dma_start3A_118 = tpu.memref_slice %arg2[%dma_start3A_116, %dma_start3A_117] : memref<100000x1024xf32, #tpu.memory_space<hbm>> -> memref<100000x1024xf32, #tpu.memory_space<hbm>>
    tpu.enqueue_indirect_dma source(%dma_start3A_118 : memref<100000x1024xf32, #tpu.memory_space<hbm>>) target(%arg7 : memref<16x1024xf32, #tpu.memory_space<vmem>>) offsets(%dma_start3A_115 : memref<16xi32, #tpu.memory_space<vmem>>) semaphore(%arg14 : memref<!tpu.dma_semaphore, #tpu.memory_space<semaphore_mem>>)
    %dma_wait3A_119 = arith.constant 48 : i32
    %dma_wait3A_120 = tpu.memref_slice %arg5[%dma_wait3A_119] : memref<512xi32, #tpu.memory_space<vmem>> -> memref<16xi32, #tpu.memory_space<vmem>>
    %dma_wait3A_121 = arith.constant 0 : i32
    %dma_wait3A_122 = arith.constant 0 : i32
    %dma_wait3A_123 = tpu.memref_slice %arg2[%dma_wait3A_121, %dma_wait3A_122] : memref<100000x1024xf32, #tpu.memory_space<hbm>> -> memref<100000x1024xf32, #tpu.memory_space<hbm>>
    tpu.wait_indirect_dma semaphore(%arg16 : memref<!tpu.dma_semaphore, #tpu.memory_space<semaphore_mem>>) src(%dma_wait3A_123 : memref<100000x1024xf32, #tpu.memory_space<hbm>>) dst(%arg9 : memref<16x1024xf32, #tpu.memory_space<vmem>>)
    %add3A_124 = arith.constant 48 : i32
    %add3A_125 = arith.addi %mul3A_34, %add3A_124 : i32
    %dma_start3A_126 = arith.constant 0 : i32
    %dma_start3A_127 = tpu.memref_slice %arg4[%add3A_125, %dma_start3A_126] : memref<16384x1024xf32, #tpu.memory_space<hbm>> -> memref<16x1024xf32, #tpu.memory_space<hbm>>
    %dma_start3A_128 = arith.constant 0 : i32
    %dma_start3A_129 = tpu.memref_slice %arg4[%add3A_125, %dma_start3A_128] : memref<16384x1024xf32, #tpu.memory_space<hbm>> -> memref<16x1024xf32, #tpu.memory_space<hbm>>
    tpu.enqueue_dma source(%arg9 : memref<16x1024xf32, #tpu.memory_space<vmem>>) target(%dma_start3A_129 : memref<16x1024xf32, #tpu.memory_space<hbm>>) target_semaphore(%arg23 : memref<!tpu.dma_semaphore, #tpu.memory_space<semaphore_mem>>)
    %dma_wait3A_130 = arith.constant 0 : i32
    %dma_wait3A_131 = tpu.memref_slice %arg4[%add3A_105, %dma_wait3A_130] : memref<16384x1024xf32, #tpu.memory_space<hbm>> -> memref<16x1024xf32, #tpu.memory_space<hbm>>
    %dma_wait3A_132 = arith.constant 0 : i32
    %dma_wait3A_133 = tpu.memref_slice %arg4[%add3A_105, %dma_wait3A_132] : memref<16384x1024xf32, #tpu.memory_space<hbm>> -> memref<16x1024xf32, #tpu.memory_space<hbm>>
    tpu.wait_dma2 semaphore(%arg22 : memref<!tpu.dma_semaphore, #tpu.memory_space<semaphore_mem>>) src(%arg8 : memref<16x1024xf32, #tpu.memory_space<vmem>>) dst(%dma_wait3A_133 : memref<16x1024xf32, #tpu.memory_space<hbm>>)
    %dma_start3A_134 = arith.constant 144 : i32
    %dma_start3A_135 = tpu.memref_slice %arg5[%dma_start3A_134] : memref<512xi32, #tpu.memory_space<vmem>> -> memref<16xi32, #tpu.memory_space<vmem>>
    %dma_start3A_136 = arith.constant 0 : i32
    %dma_start3A_137 = arith.constant 0 : i32
    %dma_start3A_138 = tpu.memref_slice %arg2[%dma_start3A_136, %dma_start3A_137] : memref<100000x1024xf32, #tpu.memory_space<hbm>> -> memref<100000x1024xf32, #tpu.memory_space<hbm>>
    tpu.enqueue_indirect_dma source(%dma_start3A_138 : memref<100000x1024xf32, #tpu.memory_space<hbm>>) target(%arg8 : memref<16x1024xf32, #tpu.memory_space<vmem>>) offsets(%dma_start3A_135 : memref<16xi32, #tpu.memory_space<vmem>>) semaphore(%arg15 : memref<!tpu.dma_semaphore, #tpu.memory_space<semaphore_mem>>)
    %dma_wait3A_139 = arith.constant 64 : i32
    %dma_wait3A_140 = tpu.memref_slice %arg5[%dma_wait3A_139] : memref<512xi32, #tpu.memory_space<vmem>> -> memref<16xi32, #tpu.memory_space<vmem>>
    %dma_wait3A_141 = arith.constant 0 : i32
    %dma_wait3A_142 = arith.constant 0 : i32
    %dma_wait3A_143 = tpu.memref_slice %arg2[%dma_wait3A_141, %dma_wait3A_142] : memref<100000x1024xf32, #tpu.memory_space<hbm>> -> memref<100000x1024xf32, #tpu.memory_space<hbm>>
    tpu.wait_indirect_dma semaphore(%arg17 : memref<!tpu.dma_semaphore, #tpu.memory_space<semaphore_mem>>) src(%dma_wait3A_143 : memref<100000x1024xf32, #tpu.memory_space<hbm>>) dst(%arg10 : memref<16x1024xf32, #tpu.memory_space<vmem>>)
    %add3A_144 = arith.constant 64 : i32
    %add3A_145 = arith.addi %mul3A_34, %add3A_144 : i32
    %dma_start3A_146 = arith.constant 0 : i32
    %dma_start3A_147 = tpu.memref_slice %arg4[%add3A_145, %dma_start3A_146] : memref<16384x1024xf32, #tpu.memory_space<hbm>> -> memref<16x1024xf32, #tpu.memory_space<hbm>>
    %dma_start3A_148 = arith.constant 0 : i32
    %dma_start3A_149 = tpu.memref_slice %arg4[%add3A_145, %dma_start3A_148] : memref<16384x1024xf32, #tpu.memory_space<hbm>> -> memref<16x1024xf32, #tpu.memory_space<hbm>>
    tpu.enqueue_dma source(%arg10 : memref<16x1024xf32, #tpu.memory_space<vmem>>) target(%dma_start3A_149 : memref<16x1024xf32, #tpu.memory_space<hbm>>) target_semaphore(%arg24 : memref<!tpu.dma_semaphore, #tpu.memory_space<semaphore_mem>>)
    %dma_wait3A_150 = arith.constant 0 : i32
    %dma_wait3A_151 = tpu.memref_slice %arg4[%add3A_125, %dma_wait3A_150] : memref<16384x1024xf32, #tpu.memory_space<hbm>> -> memref<16x1024xf32, #tpu.memory_space<hbm>>
    %dma_wait3A_152 = arith.constant 0 : i32
    %dma_wait3A_153 = tpu.memref_slice %arg4[%add3A_125, %dma_wait3A_152] : memref<16384x1024xf32, #tpu.memory_space<hbm>> -> memref<16x1024xf32, #tpu.memory_space<hbm>>
    tpu.wait_dma2 semaphore(%arg23 : memref<!tpu.dma_semaphore, #tpu.memory_space<semaphore_mem>>) src(%arg9 : memref<16x1024xf32, #tpu.memory_space<vmem>>) dst(%dma_wait3A_153 : memref<16x1024xf32, #tpu.memory_space<hbm>>)
    %dma_start3A_154 = arith.constant 160 : i32
    %dma_start3A_155 = tpu.memref_slice %arg5[%dma_start3A_154] : memref<512xi32, #tpu.memory_space<vmem>> -> memref<16xi32, #tpu.memory_space<vmem>>
    %dma_start3A_156 = arith.constant 0 : i32
    %dma_start3A_157 = arith.constant 0 : i32
    %dma_start3A_158 = tpu.memref_slice %arg2[%dma_start3A_156, %dma_start3A_157] : memref<100000x1024xf32, #tpu.memory_space<hbm>> -> memref<100000x1024xf32, #tpu.memory_space<hbm>>
    tpu.enqueue_indirect_dma source(%dma_start3A_158 : memref<100000x1024xf32, #tpu.memory_space<hbm>>) target(%arg9 : memref<16x1024xf32, #tpu.memory_space<vmem>>) offsets(%dma_start3A_155 : memref<16xi32, #tpu.memory_space<vmem>>) semaphore(%arg16 : memref<!tpu.dma_semaphore, #tpu.memory_space<semaphore_mem>>)
    %dma_wait3A_159 = arith.constant 80 : i32
    %dma_wait3A_160 = tpu.memref_slice %arg5[%dma_wait3A_159] : memref<512xi32, #tpu.memory_space<vmem>> -> memref<16xi32, #tpu.memory_space<vmem>>
    %dma_wait3A_161 = arith.constant 0 : i32
    %dma_wait3A_162 = arith.constant 0 : i32
    %dma_wait3A_163 = tpu.memref_slice %arg2[%dma_wait3A_161, %dma_wait3A_162] : memref<100000x1024xf32, #tpu.memory_space<hbm>> -> memref<100000x1024xf32, #tpu.memory_space<hbm>>
    tpu.wait_indirect_dma semaphore(%arg18 : memref<!tpu.dma_semaphore, #tpu.memory_space<semaphore_mem>>) src(%dma_wait3A_163 : memref<100000x1024xf32, #tpu.memory_space<hbm>>) dst(%arg11 : memref<16x1024xf32, #tpu.memory_space<vmem>>)
    %add3A_164 = arith.constant 80 : i32
    %add3A_165 = arith.addi %mul3A_34, %add3A_164 : i32
    %dma_start3A_166 = arith.constant 0 : i32
    %dma_start3A_167 = tpu.memref_slice %arg4[%add3A_165, %dma_start3A_166] : memref<16384x1024xf32, #tpu.memory_space<hbm>> -> memref<16x1024xf32, #tpu.memory_space<hbm>>
    %dma_start3A_168 = arith.constant 0 : i32
    %dma_start3A_169 = tpu.memref_slice %arg4[%add3A_165, %dma_start3A_168] : memref<16384x1024xf32, #tpu.memory_space<hbm>> -> memref<16x1024xf32, #tpu.memory_space<hbm>>
    tpu.enqueue_dma source(%arg11 : memref<16x1024xf32, #tpu.memory_space<vmem>>) target(%dma_start3A_169 : memref<16x1024xf32, #tpu.memory_space<hbm>>) target_semaphore(%arg25 : memref<!tpu.dma_semaphore, #tpu.memory_space<semaphore_mem>>)
    %dma_wait3A_170 = arith.constant 0 : i32
    %dma_wait3A_171 = tpu.memref_slice %arg4[%add3A_145, %dma_wait3A_170] : memref<16384x1024xf32, #tpu.memory_space<hbm>> -> memref<16x1024xf32, #tpu.memory_space<hbm>>
    %dma_wait3A_172 = arith.constant 0 : i32
    %dma_wait3A_173 = tpu.memref_slice %arg4[%add3A_145, %dma_wait3A_172] : memref<16384x1024xf32, #tpu.memory_space<hbm>> -> memref<16x1024xf32, #tpu.memory_space<hbm>>
    tpu.wait_dma2 semaphore(%arg24 : memref<!tpu.dma_semaphore, #tpu.memory_space<semaphore_mem>>) src(%arg10 : memref<16x1024xf32, #tpu.memory_space<vmem>>) dst(%dma_wait3A_173 : memref<16x1024xf32, #tpu.memory_space<hbm>>)
    %dma_start3A_174 = arith.constant 176 : i32
    %dma_start3A_175 = tpu.memref_slice %arg5[%dma_start3A_174] : memref<512xi32, #tpu.memory_space<vmem>> -> memref<16xi32, #tpu.memory_space<vmem>>
    %dma_start3A_176 = arith.constant 0 : i32
    %dma_start3A_177 = arith.constant 0 : i32
    %dma_start3A_178 = tpu.memref_slice %arg2[%dma_start3A_176, %dma_start3A_177] : memref<100000x1024xf32, #tpu.memory_space<hbm>> -> memref<100000x1024xf32, #tpu.memory_space<hbm>>
    tpu.enqueue_indirect_dma source(%dma_start3A_178 : memref<100000x1024xf32, #tpu.memory_space<hbm>>) target(%arg10 : memref<16x1024xf32, #tpu.memory_space<vmem>>) offsets(%dma_start3A_175 : memref<16xi32, #tpu.memory_space<vmem>>) semaphore(%arg17 : memref<!tpu.dma_semaphore, #tpu.memory_space<semaphore_mem>>)
    %dma_wait3A_179 = arith.constant 96 : i32
    %dma_wait3A_180 = tpu.memref_slice %arg5[%dma_wait3A_179] : memref<512xi32, #tpu.memory_space<vmem>> -> memref<16xi32, #tpu.memory_space<vmem>>
    %dma_wait3A_181 = arith.constant 0 : i32
    %dma_wait3A_182 = arith.constant 0 : i32
    %dma_wait3A_183 = tpu.memref_slice %arg2[%dma_wait3A_181, %dma_wait3A_182] : memref<100000x1024xf32, #tpu.memory_space<hbm>> -> memref<100000x1024xf32, #tpu.memory_space<hbm>>
    tpu.wait_indirect_dma semaphore(%arg19 : memref<!tpu.dma_semaphore, #tpu.memory_space<semaphore_mem>>) src(%dma_wait3A_183 : memref<100000x1024xf32, #tpu.memory_space<hbm>>) dst(%arg12 : memref<16x1024xf32, #tpu.memory_space<vmem>>)
    %add3A_184 = arith.constant 96 : i32
    %add3A_185 = arith.addi %mul3A_34, %add3A_184 : i32
    %dma_start3A_186 = arith.constant 0 : i32
    %dma_start3A_187 = tpu.memref_slice %arg4[%add3A_185, %dma_start3A_186] : memref<16384x1024xf32, #tpu.memory_space<hbm>> -> memref<16x1024xf32, #tpu.memory_space<hbm>>
    %dma_start3A_188 = arith.constant 0 : i32
    %dma_start3A_189 = tpu.memref_slice %arg4[%add3A_185, %dma_start3A_188] : memref<16384x1024xf32, #tpu.memory_space<hbm>> -> memref<16x1024xf32, #tpu.memory_space<hbm>>
    tpu.enqueue_dma source(%arg12 : memref<16x1024xf32, #tpu.memory_space<vmem>>) target(%dma_start3A_189 : memref<16x1024xf32, #tpu.memory_space<hbm>>) target_semaphore(%arg26 : memref<!tpu.dma_semaphore, #tpu.memory_space<semaphore_mem>>)
    %dma_wait3A_190 = arith.constant 0 : i32
    %dma_wait3A_191 = tpu.memref_slice %arg4[%add3A_165, %dma_wait3A_190] : memref<16384x1024xf32, #tpu.memory_space<hbm>> -> memref<16x1024xf32, #tpu.memory_space<hbm>>
    %dma_wait3A_192 = arith.constant 0 : i32
    %dma_wait3A_193 = tpu.memref_slice %arg4[%add3A_165, %dma_wait3A_192] : memref<16384x1024xf32, #tpu.memory_space<hbm>> -> memref<16x1024xf32, #tpu.memory_space<hbm>>
    tpu.wait_dma2 semaphore(%arg25 : memref<!tpu.dma_semaphore, #tpu.memory_space<semaphore_mem>>) src(%arg11 : memref<16x1024xf32, #tpu.memory_space<vmem>>) dst(%dma_wait3A_193 : memref<16x1024xf32, #tpu.memory_space<hbm>>)
    %dma_start3A_194 = arith.constant 192 : i32
    %dma_start3A_195 = tpu.memref_slice %arg5[%dma_start3A_194] : memref<512xi32, #tpu.memory_space<vmem>> -> memref<16xi32, #tpu.memory_space<vmem>>
    %dma_start3A_196 = arith.constant 0 : i32
    %dma_start3A_197 = arith.constant 0 : i32
    %dma_start3A_198 = tpu.memref_slice %arg2[%dma_start3A_196, %dma_start3A_197] : memref<100000x1024xf32, #tpu.memory_space<hbm>> -> memref<100000x1024xf32, #tpu.memory_space<hbm>>
    tpu.enqueue_indirect_dma source(%dma_start3A_198 : memref<100000x1024xf32, #tpu.memory_space<hbm>>) target(%arg11 : memref<16x1024xf32, #tpu.memory_space<vmem>>) offsets(%dma_start3A_195 : memref<16xi32, #tpu.memory_space<vmem>>) semaphore(%arg18 : memref<!tpu.dma_semaphore, #tpu.memory_space<semaphore_mem>>)
    %dma_wait3A_199 = arith.constant 112 : i32
    %dma_wait3A_200 = tpu.memref_slice %arg5[%dma_wait3A_199] : memref<512xi32, #tpu.memory_space<vmem>> -> memref<16xi32, #tpu.memory_space<vmem>>
    %dma_wait3A_201 = arith.constant 0 : i32
    %dma_wait3A_202 = arith.constant 0 : i32
    %dma_wait3A_203 = tpu.memref_slice %arg2[%dma_wait3A_201, %dma_wait3A_202] : memref<100000x1024xf32, #tpu.memory_space<hbm>> -> memref<100000x1024xf32, #tpu.memory_space<hbm>>
    tpu.wait_indirect_dma semaphore(%arg13 : memref<!tpu.dma_semaphore, #tpu.memory_space<semaphore_mem>>) src(%dma_wait3A_203 : memref<100000x1024xf32, #tpu.memory_space<hbm>>) dst(%arg6 : memref<16x1024xf32, #tpu.memory_space<vmem>>)
    %add3A_204 = arith.constant 112 : i32
    %add3A_205 = arith.addi %mul3A_34, %add3A_204 : i32
    %dma_start3A_206 = arith.constant 0 : i32
    %dma_start3A_207 = tpu.memref_slice %arg4[%add3A_205, %dma_start3A_206] : memref<16384x1024xf32, #tpu.memory_space<hbm>> -> memref<16x1024xf32, #tpu.memory_space<hbm>>
    %dma_start3A_208 = arith.constant 0 : i32
    %dma_start3A_209 = tpu.memref_slice %arg4[%add3A_205, %dma_start3A_208] : memref<16384x1024xf32, #tpu.memory_space<hbm>> -> memref<16x1024xf32, #tpu.memory_space<hbm>>
    tpu.enqueue_dma source(%arg6 : memref<16x1024xf32, #tpu.memory_space<vmem>>) target(%dma_start3A_209 : memref<16x1024xf32, #tpu.memory_space<hbm>>) target_semaphore(%arg20 : memref<!tpu.dma_semaphore, #tpu.memory_space<semaphore_mem>>)
    %dma_wait3A_210 = arith.constant 0 : i32
    %dma_wait3A_211 = tpu.memref_slice %arg4[%add3A_185, %dma_wait3A_210] : memref<16384x1024xf32, #tpu.memory_space<hbm>> -> memref<16x1024xf32, #tpu.memory_space<hbm>>
    %dma_wait3A_212 = arith.constant 0 : i32
    %dma_wait3A_213 = tpu.memref_slice %arg4[%add3A_185, %dma_wait3A_212] : memref<16384x1024xf32, #tpu.memory_space<hbm>> -> memref<16x1024xf32, #tpu.memory_space<hbm>>
    tpu.wait_dma2 semaphore(%arg26 : memref<!tpu.dma_semaphore, #tpu.memory_space<semaphore_mem>>) src(%arg12 : memref<16x1024xf32, #tpu.memory_space<vmem>>) dst(%dma_wait3A_213 : memref<16x1024xf32, #tpu.memory_space<hbm>>)
    %dma_start3A_214 = arith.constant 208 : i32
    %dma_start3A_215 = tpu.memref_slice %arg5[%dma_start3A_214] : memref<512xi32, #tpu.memory_space<vmem>> -> memref<16xi32, #tpu.memory_space<vmem>>
    %dma_start3A_216 = arith.constant 0 : i32
    %dma_start3A_217 = arith.constant 0 : i32
    %dma_start3A_218 = tpu.memref_slice %arg2[%dma_start3A_216, %dma_start3A_217] : memref<100000x1024xf32, #tpu.memory_space<hbm>> -> memref<100000x1024xf32, #tpu.memory_space<hbm>>
    tpu.enqueue_indirect_dma source(%dma_start3A_218 : memref<100000x1024xf32, #tpu.memory_space<hbm>>) target(%arg12 : memref<16x1024xf32, #tpu.memory_space<vmem>>) offsets(%dma_start3A_215 : memref<16xi32, #tpu.memory_space<vmem>>) semaphore(%arg19 : memref<!tpu.dma_semaphore, #tpu.memory_space<semaphore_mem>>)
    %dma_wait3A_219 = arith.constant 128 : i32
    %dma_wait3A_220 = tpu.memref_slice %arg5[%dma_wait3A_219] : memref<512xi32, #tpu.memory_space<vmem>> -> memref<16xi32, #tpu.memory_space<vmem>>
    %dma_wait3A_221 = arith.constant 0 : i32
    %dma_wait3A_222 = arith.constant 0 : i32
    %dma_wait3A_223 = tpu.memref_slice %arg2[%dma_wait3A_221, %dma_wait3A_222] : memref<100000x1024xf32, #tpu.memory_space<hbm>> -> memref<100000x1024xf32, #tpu.memory_space<hbm>>
    tpu.wait_indirect_dma semaphore(%arg14 : memref<!tpu.dma_semaphore, #tpu.memory_space<semaphore_mem>>) src(%dma_wait3A_223 : memref<100000x1024xf32, #tpu.memory_space<hbm>>) dst(%arg7 : memref<16x1024xf32, #tpu.memory_space<vmem>>)
    %add3A_224 = arith.constant 128 : i32
    %add3A_225 = arith.addi %mul3A_34, %add3A_224 : i32
    %dma_start3A_226 = arith.constant 0 : i32
    %dma_start3A_227 = tpu.memref_slice %arg4[%add3A_225, %dma_start3A_226] : memref<16384x1024xf32, #tpu.memory_space<hbm>> -> memref<16x1024xf32, #tpu.memory_space<hbm>>
    %dma_start3A_228 = arith.constant 0 : i32
    %dma_start3A_229 = tpu.memref_slice %arg4[%add3A_225, %dma_start3A_228] : memref<16384x1024xf32, #tpu.memory_space<hbm>> -> memref<16x1024xf32, #tpu.memory_space<hbm>>
    tpu.enqueue_dma source(%arg7 : memref<16x1024xf32, #tpu.memory_space<vmem>>) target(%dma_start3A_229 : memref<16x1024xf32, #tpu.memory_space<hbm>>) target_semaphore(%arg21 : memref<!tpu.dma_semaphore, #tpu.memory_space<semaphore_mem>>)
    %dma_wait3A_230 = arith.constant 0 : i32
    %dma_wait3A_231 = tpu.memref_slice %arg4[%add3A_205, %dma_wait3A_230] : memref<16384x1024xf32, #tpu.memory_space<hbm>> -> memref<16x1024xf32, #tpu.memory_space<hbm>>
    %dma_wait3A_232 = arith.constant 0 : i32
    %dma_wait3A_233 = tpu.memref_slice %arg4[%add3A_205, %dma_wait3A_232] : memref<16384x1024xf32, #tpu.memory_space<hbm>> -> memref<16x1024xf32, #tpu.memory_space<hbm>>
    tpu.wait_dma2 semaphore(%arg20 : memref<!tpu.dma_semaphore, #tpu.memory_space<semaphore_mem>>) src(%arg6 : memref<16x1024xf32, #tpu.memory_space<vmem>>) dst(%dma_wait3A_233 : memref<16x1024xf32, #tpu.memory_space<hbm>>)
    %dma_start3A_234 = arith.constant 224 : i32
    %dma_start3A_235 = tpu.memref_slice %arg5[%dma_start3A_234] : memref<512xi32, #tpu.memory_space<vmem>> -> memref<16xi32, #tpu.memory_space<vmem>>
    %dma_start3A_236 = arith.constant 0 : i32
    %dma_start3A_237 = arith.constant 0 : i32
    %dma_start3A_238 = tpu.memref_slice %arg2[%dma_start3A_236, %dma_start3A_237] : memref<100000x1024xf32, #tpu.memory_space<hbm>> -> memref<100000x1024xf32, #tpu.memory_space<hbm>>
    tpu.enqueue_indirect_dma source(%dma_start3A_238 : memref<100000x1024xf32, #tpu.memory_space<hbm>>) target(%arg6 : memref<16x1024xf32, #tpu.memory_space<vmem>>) offsets(%dma_start3A_235 : memref<16xi32, #tpu.memory_space<vmem>>) semaphore(%arg13 : memref<!tpu.dma_semaphore, #tpu.memory_space<semaphore_mem>>)
    %dma_wait3A_239 = arith.constant 144 : i32
    %dma_wait3A_240 = tpu.memref_slice %arg5[%dma_wait3A_239] : memref<512xi32, #tpu.memory_space<vmem>> -> memref<16xi32, #tpu.memory_space<vmem>>
    %dma_wait3A_241 = arith.constant 0 : i32
    %dma_wait3A_242 = arith.constant 0 : i32
    %dma_wait3A_243 = tpu.memref_slice %arg2[%dma_wait3A_241, %dma_wait3A_242] : memref<100000x1024xf32, #tpu.memory_space<hbm>> -> memref<100000x1024xf32, #tpu.memory_space<hbm>>
    tpu.wait_indirect_dma semaphore(%arg15 : memref<!tpu.dma_semaphore, #tpu.memory_space<semaphore_mem>>) src(%dma_wait3A_243 : memref<100000x1024xf32, #tpu.memory_space<hbm>>) dst(%arg8 : memref<16x1024xf32, #tpu.memory_space<vmem>>)
    %add3A_244 = arith.constant 144 : i32
    %add3A_245 = arith.addi %mul3A_34, %add3A_244 : i32
    %dma_start3A_246 = arith.constant 0 : i32
    %dma_start3A_247 = tpu.memref_slice %arg4[%add3A_245, %dma_start3A_246] : memref<16384x1024xf32, #tpu.memory_space<hbm>> -> memref<16x1024xf32, #tpu.memory_space<hbm>>
    %dma_start3A_248 = arith.constant 0 : i32
    %dma_start3A_249 = tpu.memref_slice %arg4[%add3A_245, %dma_start3A_248] : memref<16384x1024xf32, #tpu.memory_space<hbm>> -> memref<16x1024xf32, #tpu.memory_space<hbm>>
    tpu.enqueue_dma source(%arg8 : memref<16x1024xf32, #tpu.memory_space<vmem>>) target(%dma_start3A_249 : memref<16x1024xf32, #tpu.memory_space<hbm>>) target_semaphore(%arg22 : memref<!tpu.dma_semaphore, #tpu.memory_space<semaphore_mem>>)
    %dma_wait3A_250 = arith.constant 0 : i32
    %dma_wait3A_251 = tpu.memref_slice %arg4[%add3A_225, %dma_wait3A_250] : memref<16384x1024xf32, #tpu.memory_space<hbm>> -> memref<16x1024xf32, #tpu.memory_space<hbm>>
    %dma_wait3A_252 = arith.constant 0 : i32
    %dma_wait3A_253 = tpu.memref_slice %arg4[%add3A_225, %dma_wait3A_252] : memref<16384x1024xf32, #tpu.memory_space<hbm>> -> memref<16x1024xf32, #tpu.memory_space<hbm>>
    tpu.wait_dma2 semaphore(%arg21 : memref<!tpu.dma_semaphore, #tpu.memory_space<semaphore_mem>>) src(%arg7 : memref<16x1024xf32, #tpu.memory_space<vmem>>) dst(%dma_wait3A_253 : memref<16x1024xf32, #tpu.memory_space<hbm>>)
    %dma_start3A_254 = arith.constant 240 : i32
    %dma_start3A_255 = tpu.memref_slice %arg5[%dma_start3A_254] : memref<512xi32, #tpu.memory_space<vmem>> -> memref<16xi32, #tpu.memory_space<vmem>>
    %dma_start3A_256 = arith.constant 0 : i32
    %dma_start3A_257 = arith.constant 0 : i32
    %dma_start3A_258 = tpu.memref_slice %arg2[%dma_start3A_256, %dma_start3A_257] : memref<100000x1024xf32, #tpu.memory_space<hbm>> -> memref<100000x1024xf32, #tpu.memory_space<hbm>>
    tpu.enqueue_indirect_dma source(%dma_start3A_258 : memref<100000x1024xf32, #tpu.memory_space<hbm>>) target(%arg7 : memref<16x1024xf32, #tpu.memory_space<vmem>>) offsets(%dma_start3A_255 : memref<16xi32, #tpu.memory_space<vmem>>) semaphore(%arg14 : memref<!tpu.dma_semaphore, #tpu.memory_space<semaphore_mem>>)
    %dma_wait3A_259 = arith.constant 160 : i32
    %dma_wait3A_260 = tpu.memref_slice %arg5[%dma_wait3A_259] : memref<512xi32, #tpu.memory_space<vmem>> -> memref<16xi32, #tpu.memory_space<vmem>>
    %dma_wait3A_261 = arith.constant 0 : i32
    %dma_wait3A_262 = arith.constant 0 : i32
    %dma_wait3A_263 = tpu.memref_slice %arg2[%dma_wait3A_261, %dma_wait3A_262] : memref<100000x1024xf32, #tpu.memory_space<hbm>> -> memref<100000x1024xf32, #tpu.memory_space<hbm>>
    tpu.wait_indirect_dma semaphore(%arg16 : memref<!tpu.dma_semaphore, #tpu.memory_space<semaphore_mem>>) src(%dma_wait3A_263 : memref<100000x1024xf32, #tpu.memory_space<hbm>>) dst(%arg9 : memref<16x1024xf32, #tpu.memory_space<vmem>>)
    %add3A_264 = arith.constant 160 : i32
    %add3A_265 = arith.addi %mul3A_34, %add3A_264 : i32
    %dma_start3A_266 = arith.constant 0 : i32
    %dma_start3A_267 = tpu.memref_slice %arg4[%add3A_265, %dma_start3A_266] : memref<16384x1024xf32, #tpu.memory_space<hbm>> -> memref<16x1024xf32, #tpu.memory_space<hbm>>
    %dma_start3A_268 = arith.constant 0 : i32
    %dma_start3A_269 = tpu.memref_slice %arg4[%add3A_265, %dma_start3A_268] : memref<16384x1024xf32, #tpu.memory_space<hbm>> -> memref<16x1024xf32, #tpu.memory_space<hbm>>
    tpu.enqueue_dma source(%arg9 : memref<16x1024xf32, #tpu.memory_space<vmem>>) target(%dma_start3A_269 : memref<16x1024xf32, #tpu.memory_space<hbm>>) target_semaphore(%arg23 : memref<!tpu.dma_semaphore, #tpu.memory_space<semaphore_mem>>)
    %dma_wait3A_270 = arith.constant 0 : i32
    %dma_wait3A_271 = tpu.memref_slice %arg4[%add3A_245, %dma_wait3A_270] : memref<16384x1024xf32, #tpu.memory_space<hbm>> -> memref<16x1024xf32, #tpu.memory_space<hbm>>
    %dma_wait3A_272 = arith.constant 0 : i32
    %dma_wait3A_273 = tpu.memref_slice %arg4[%add3A_245, %dma_wait3A_272] : memref<16384x1024xf32, #tpu.memory_space<hbm>> -> memref<16x1024xf32, #tpu.memory_space<hbm>>
    tpu.wait_dma2 semaphore(%arg22 : memref<!tpu.dma_semaphore, #tpu.memory_space<semaphore_mem>>) src(%arg8 : memref<16x1024xf32, #tpu.memory_space<vmem>>) dst(%dma_wait3A_273 : memref<16x1024xf32, #tpu.memory_space<hbm>>)
    %dma_start3A_274 = arith.constant 256 : i32
    %dma_start3A_275 = tpu.memref_slice %arg5[%dma_start3A_274] : memref<512xi32, #tpu.memory_space<vmem>> -> memref<16xi32, #tpu.memory_space<vmem>>
    %dma_start3A_276 = arith.constant 0 : i32
    %dma_start3A_277 = arith.constant 0 : i32
    %dma_start3A_278 = tpu.memref_slice %arg2[%dma_start3A_276, %dma_start3A_277] : memref<100000x1024xf32, #tpu.memory_space<hbm>> -> memref<100000x1024xf32, #tpu.memory_space<hbm>>
    tpu.enqueue_indirect_dma source(%dma_start3A_278 : memref<100000x1024xf32, #tpu.memory_space<hbm>>) target(%arg8 : memref<16x1024xf32, #tpu.memory_space<vmem>>) offsets(%dma_start3A_275 : memref<16xi32, #tpu.memory_space<vmem>>) semaphore(%arg15 : memref<!tpu.dma_semaphore, #tpu.memory_space<semaphore_mem>>)
    %dma_wait3A_279 = arith.constant 176 : i32
    %dma_wait3A_280 = tpu.memref_slice %arg5[%dma_wait3A_279] : memref<512xi32, #tpu.memory_space<vmem>> -> memref<16xi32, #tpu.memory_space<vmem>>
    %dma_wait3A_281 = arith.constant 0 : i32
    %dma_wait3A_282 = arith.constant 0 : i32
    %dma_wait3A_283 = tpu.memref_slice %arg2[%dma_wait3A_281, %dma_wait3A_282] : memref<100000x1024xf32, #tpu.memory_space<hbm>> -> memref<100000x1024xf32, #tpu.memory_space<hbm>>
    tpu.wait_indirect_dma semaphore(%arg17 : memref<!tpu.dma_semaphore, #tpu.memory_space<semaphore_mem>>) src(%dma_wait3A_283 : memref<100000x1024xf32, #tpu.memory_space<hbm>>) dst(%arg10 : memref<16x1024xf32, #tpu.memory_space<vmem>>)
    %add3A_284 = arith.constant 176 : i32
    %add3A_285 = arith.addi %mul3A_34, %add3A_284 : i32
    %dma_start3A_286 = arith.constant 0 : i32
    %dma_start3A_287 = tpu.memref_slice %arg4[%add3A_285, %dma_start3A_286] : memref<16384x1024xf32, #tpu.memory_space<hbm>> -> memref<16x1024xf32, #tpu.memory_space<hbm>>
    %dma_start3A_288 = arith.constant 0 : i32
    %dma_start3A_289 = tpu.memref_slice %arg4[%add3A_285, %dma_start3A_288] : memref<16384x1024xf32, #tpu.memory_space<hbm>> -> memref<16x1024xf32, #tpu.memory_space<hbm>>
    tpu.enqueue_dma source(%arg10 : memref<16x1024xf32, #tpu.memory_space<vmem>>) target(%dma_start3A_289 : memref<16x1024xf32, #tpu.memory_space<hbm>>) target_semaphore(%arg24 : memref<!tpu.dma_semaphore, #tpu.memory_space<semaphore_mem>>)
    %dma_wait3A_290 = arith.constant 0 : i32
    %dma_wait3A_291 = tpu.memref_slice %arg4[%add3A_265, %dma_wait3A_290] : memref<16384x1024xf32, #tpu.memory_space<hbm>> -> memref<16x1024xf32, #tpu.memory_space<hbm>>
    %dma_wait3A_292 = arith.constant 0 : i32
    %dma_wait3A_293 = tpu.memref_slice %arg4[%add3A_265, %dma_wait3A_292] : memref<16384x1024xf32, #tpu.memory_space<hbm>> -> memref<16x1024xf32, #tpu.memory_space<hbm>>
    tpu.wait_dma2 semaphore(%arg23 : memref<!tpu.dma_semaphore, #tpu.memory_space<semaphore_mem>>) src(%arg9 : memref<16x1024xf32, #tpu.memory_space<vmem>>) dst(%dma_wait3A_293 : memref<16x1024xf32, #tpu.memory_space<hbm>>)
    %dma_start3A_294 = arith.constant 272 : i32
    %dma_start3A_295 = tpu.memref_slice %arg5[%dma_start3A_294] : memref<512xi32, #tpu.memory_space<vmem>> -> memref<16xi32, #tpu.memory_space<vmem>>
    %dma_start3A_296 = arith.constant 0 : i32
    %dma_start3A_297 = arith.constant 0 : i32
    %dma_start3A_298 = tpu.memref_slice %arg2[%dma_start3A_296, %dma_start3A_297] : memref<100000x1024xf32, #tpu.memory_space<hbm>> -> memref<100000x1024xf32, #tpu.memory_space<hbm>>
    tpu.enqueue_indirect_dma source(%dma_start3A_298 : memref<100000x1024xf32, #tpu.memory_space<hbm>>) target(%arg9 : memref<16x1024xf32, #tpu.memory_space<vmem>>) offsets(%dma_start3A_295 : memref<16xi32, #tpu.memory_space<vmem>>) semaphore(%arg16 : memref<!tpu.dma_semaphore, #tpu.memory_space<semaphore_mem>>)
    %dma_wait3A_299 = arith.constant 192 : i32
    %dma_wait3A_300 = tpu.memref_slice %arg5[%dma_wait3A_299] : memref<512xi32, #tpu.memory_space<vmem>> -> memref<16xi32, #tpu.memory_space<vmem>>
    %dma_wait3A_301 = arith.constant 0 : i32
    %dma_wait3A_302 = arith.constant 0 : i32
    %dma_wait3A_303 = tpu.memref_slice %arg2[%dma_wait3A_301, %dma_wait3A_302] : memref<100000x1024xf32, #tpu.memory_space<hbm>> -> memref<100000x1024xf32, #tpu.memory_space<hbm>>
    tpu.wait_indirect_dma semaphore(%arg18 : memref<!tpu.dma_semaphore, #tpu.memory_space<semaphore_mem>>) src(%dma_wait3A_303 : memref<100000x1024xf32, #tpu.memory_space<hbm>>) dst(%arg11 : memref<16x1024xf32, #tpu.memory_space<vmem>>)
    %add3A_304 = arith.constant 192 : i32
    %add3A_305 = arith.addi %mul3A_34, %add3A_304 : i32
    %dma_start3A_306 = arith.constant 0 : i32
    %dma_start3A_307 = tpu.memref_slice %arg4[%add3A_305, %dma_start3A_306] : memref<16384x1024xf32, #tpu.memory_space<hbm>> -> memref<16x1024xf32, #tpu.memory_space<hbm>>
    %dma_start3A_308 = arith.constant 0 : i32
    %dma_start3A_309 = tpu.memref_slice %arg4[%add3A_305, %dma_start3A_308] : memref<16384x1024xf32, #tpu.memory_space<hbm>> -> memref<16x1024xf32, #tpu.memory_space<hbm>>
    tpu.enqueue_dma source(%arg11 : memref<16x1024xf32, #tpu.memory_space<vmem>>) target(%dma_start3A_309 : memref<16x1024xf32, #tpu.memory_space<hbm>>) target_semaphore(%arg25 : memref<!tpu.dma_semaphore, #tpu.memory_space<semaphore_mem>>)
    %dma_wait3A_310 = arith.constant 0 : i32
    %dma_wait3A_311 = tpu.memref_slice %arg4[%add3A_285, %dma_wait3A_310] : memref<16384x1024xf32, #tpu.memory_space<hbm>> -> memref<16x1024xf32, #tpu.memory_space<hbm>>
    %dma_wait3A_312 = arith.constant 0 : i32
    %dma_wait3A_313 = tpu.memref_slice %arg4[%add3A_285, %dma_wait3A_312] : memref<16384x1024xf32, #tpu.memory_space<hbm>> -> memref<16x1024xf32, #tpu.memory_space<hbm>>
    tpu.wait_dma2 semaphore(%arg24 : memref<!tpu.dma_semaphore, #tpu.memory_space<semaphore_mem>>) src(%arg10 : memref<16x1024xf32, #tpu.memory_space<vmem>>) dst(%dma_wait3A_313 : memref<16x1024xf32, #tpu.memory_space<hbm>>)
    %dma_start3A_314 = arith.constant 288 : i32
    %dma_start3A_315 = tpu.memref_slice %arg5[%dma_start3A_314] : memref<512xi32, #tpu.memory_space<vmem>> -> memref<16xi32, #tpu.memory_space<vmem>>
    %dma_start3A_316 = arith.constant 0 : i32
    %dma_start3A_317 = arith.constant 0 : i32
    %dma_start3A_318 = tpu.memref_slice %arg2[%dma_start3A_316, %dma_start3A_317] : memref<100000x1024xf32, #tpu.memory_space<hbm>> -> memref<100000x1024xf32, #tpu.memory_space<hbm>>
    tpu.enqueue_indirect_dma source(%dma_start3A_318 : memref<100000x1024xf32, #tpu.memory_space<hbm>>) target(%arg10 : memref<16x1024xf32, #tpu.memory_space<vmem>>) offsets(%dma_start3A_315 : memref<16xi32, #tpu.memory_space<vmem>>) semaphore(%arg17 : memref<!tpu.dma_semaphore, #tpu.memory_space<semaphore_mem>>)
    %dma_wait3A_319 = arith.constant 208 : i32
    %dma_wait3A_320 = tpu.memref_slice %arg5[%dma_wait3A_319] : memref<512xi32, #tpu.memory_space<vmem>> -> memref<16xi32, #tpu.memory_space<vmem>>
    %dma_wait3A_321 = arith.constant 0 : i32
    %dma_wait3A_322 = arith.constant 0 : i32
    %dma_wait3A_323 = tpu.memref_slice %arg2[%dma_wait3A_321, %dma_wait3A_322] : memref<100000x1024xf32, #tpu.memory_space<hbm>> -> memref<100000x1024xf32, #tpu.memory_space<hbm>>
    tpu.wait_indirect_dma semaphore(%arg19 : memref<!tpu.dma_semaphore, #tpu.memory_space<semaphore_mem>>) src(%dma_wait3A_323 : memref<100000x1024xf32, #tpu.memory_space<hbm>>) dst(%arg12 : memref<16x1024xf32, #tpu.memory_space<vmem>>)
    %add3A_324 = arith.constant 208 : i32
    %add3A_325 = arith.addi %mul3A_34, %add3A_324 : i32
    %dma_start3A_326 = arith.constant 0 : i32
    %dma_start3A_327 = tpu.memref_slice %arg4[%add3A_325, %dma_start3A_326] : memref<16384x1024xf32, #tpu.memory_space<hbm>> -> memref<16x1024xf32, #tpu.memory_space<hbm>>
    %dma_start3A_328 = arith.constant 0 : i32
    %dma_start3A_329 = tpu.memref_slice %arg4[%add3A_325, %dma_start3A_328] : memref<16384x1024xf32, #tpu.memory_space<hbm>> -> memref<16x1024xf32, #tpu.memory_space<hbm>>
    tpu.enqueue_dma source(%arg12 : memref<16x1024xf32, #tpu.memory_space<vmem>>) target(%dma_start3A_329 : memref<16x1024xf32, #tpu.memory_space<hbm>>) target_semaphore(%arg26 : memref<!tpu.dma_semaphore, #tpu.memory_space<semaphore_mem>>)
    %dma_wait3A_330 = arith.constant 0 : i32
    %dma_wait3A_331 = tpu.memref_slice %arg4[%add3A_305, %dma_wait3A_330] : memref<16384x1024xf32, #tpu.memory_space<hbm>> -> memref<16x1024xf32, #tpu.memory_space<hbm>>
    %dma_wait3A_332 = arith.constant 0 : i32
    %dma_wait3A_333 = tpu.memref_slice %arg4[%add3A_305, %dma_wait3A_332] : memref<16384x1024xf32, #tpu.memory_space<hbm>> -> memref<16x1024xf32, #tpu.memory_space<hbm>>
    tpu.wait_dma2 semaphore(%arg25 : memref<!tpu.dma_semaphore, #tpu.memory_space<semaphore_mem>>) src(%arg11 : memref<16x1024xf32, #tpu.memory_space<vmem>>) dst(%dma_wait3A_333 : memref<16x1024xf32, #tpu.memory_space<hbm>>)
    %dma_start3A_334 = arith.constant 304 : i32
    %dma_start3A_335 = tpu.memref_slice %arg5[%dma_start3A_334] : memref<512xi32, #tpu.memory_space<vmem>> -> memref<16xi32, #tpu.memory_space<vmem>>
    %dma_start3A_336 = arith.constant 0 : i32
    %dma_start3A_337 = arith.constant 0 : i32
    %dma_start3A_338 = tpu.memref_slice %arg2[%dma_start3A_336, %dma_start3A_337] : memref<100000x1024xf32, #tpu.memory_space<hbm>> -> memref<100000x1024xf32, #tpu.memory_space<hbm>>
    tpu.enqueue_indirect_dma source(%dma_start3A_338 : memref<100000x1024xf32, #tpu.memory_space<hbm>>) target(%arg11 : memref<16x1024xf32, #tpu.memory_space<vmem>>) offsets(%dma_start3A_335 : memref<16xi32, #tpu.memory_space<vmem>>) semaphore(%arg18 : memref<!tpu.dma_semaphore, #tpu.memory_space<semaphore_mem>>)
    %dma_wait3A_339 = arith.constant 224 : i32
    %dma_wait3A_340 = tpu.memref_slice %arg5[%dma_wait3A_339] : memref<512xi32, #tpu.memory_space<vmem>> -> memref<16xi32, #tpu.memory_space<vmem>>
    %dma_wait3A_341 = arith.constant 0 : i32
    %dma_wait3A_342 = arith.constant 0 : i32
    %dma_wait3A_343 = tpu.memref_slice %arg2[%dma_wait3A_341, %dma_wait3A_342] : memref<100000x1024xf32, #tpu.memory_space<hbm>> -> memref<100000x1024xf32, #tpu.memory_space<hbm>>
    tpu.wait_indirect_dma semaphore(%arg13 : memref<!tpu.dma_semaphore, #tpu.memory_space<semaphore_mem>>) src(%dma_wait3A_343 : memref<100000x1024xf32, #tpu.memory_space<hbm>>) dst(%arg6 : memref<16x1024xf32, #tpu.memory_space<vmem>>)
    %add3A_344 = arith.constant 224 : i32
    %add3A_345 = arith.addi %mul3A_34, %add3A_344 : i32
    %dma_start3A_346 = arith.constant 0 : i32
    %dma_start3A_347 = tpu.memref_slice %arg4[%add3A_345, %dma_start3A_346] : memref<16384x1024xf32, #tpu.memory_space<hbm>> -> memref<16x1024xf32, #tpu.memory_space<hbm>>
    %dma_start3A_348 = arith.constant 0 : i32
    %dma_start3A_349 = tpu.memref_slice %arg4[%add3A_345, %dma_start3A_348] : memref<16384x1024xf32, #tpu.memory_space<hbm>> -> memref<16x1024xf32, #tpu.memory_space<hbm>>
    tpu.enqueue_dma source(%arg6 : memref<16x1024xf32, #tpu.memory_space<vmem>>) target(%dma_start3A_349 : memref<16x1024xf32, #tpu.memory_space<hbm>>) target_semaphore(%arg20 : memref<!tpu.dma_semaphore, #tpu.memory_space<semaphore_mem>>)
    %dma_wait3A_350 = arith.constant 0 : i32
    %dma_wait3A_351 = tpu.memref_slice %arg4[%add3A_325, %dma_wait3A_350] : memref<16384x1024xf32, #tpu.memory_space<hbm>> -> memref<16x1024xf32, #tpu.memory_space<hbm>>
    %dma_wait3A_352 = arith.constant 0 : i32
    %dma_wait3A_353 = tpu.memref_slice %arg4[%add3A_325, %dma_wait3A_352] : memref<16384x1024xf32, #tpu.memory_space<hbm>> -> memref<16x1024xf32, #tpu.memory_space<hbm>>
    tpu.wait_dma2 semaphore(%arg26 : memref<!tpu.dma_semaphore, #tpu.memory_space<semaphore_mem>>) src(%arg12 : memref<16x1024xf32, #tpu.memory_space<vmem>>) dst(%dma_wait3A_353 : memref<16x1024xf32, #tpu.memory_space<hbm>>)
    %dma_start3A_354 = arith.constant 320 : i32
    %dma_start3A_355 = tpu.memref_slice %arg5[%dma_start3A_354] : memref<512xi32, #tpu.memory_space<vmem>> -> memref<16xi32, #tpu.memory_space<vmem>>
    %dma_start3A_356 = arith.constant 0 : i32
    %dma_start3A_357 = arith.constant 0 : i32
    %dma_start3A_358 = tpu.memref_slice %arg2[%dma_start3A_356, %dma_start3A_357] : memref<100000x1024xf32, #tpu.memory_space<hbm>> -> memref<100000x1024xf32, #tpu.memory_space<hbm>>
    tpu.enqueue_indirect_dma source(%dma_start3A_358 : memref<100000x1024xf32, #tpu.memory_space<hbm>>) target(%arg12 : memref<16x1024xf32, #tpu.memory_space<vmem>>) offsets(%dma_start3A_355 : memref<16xi32, #tpu.memory_space<vmem>>) semaphore(%arg19 : memref<!tpu.dma_semaphore, #tpu.memory_space<semaphore_mem>>)
    %dma_wait3A_359 = arith.constant 240 : i32
    %dma_wait3A_360 = tpu.memref_slice %arg5[%dma_wait3A_359] : memref<512xi32, #tpu.memory_space<vmem>> -> memref<16xi32, #tpu.memory_space<vmem>>
    %dma_wait3A_361 = arith.constant 0 : i32
    %dma_wait3A_362 = arith.constant 0 : i32
    %dma_wait3A_363 = tpu.memref_slice %arg2[%dma_wait3A_361, %dma_wait3A_362] : memref<100000x1024xf32, #tpu.memory_space<hbm>> -> memref<100000x1024xf32, #tpu.memory_space<hbm>>
    tpu.wait_indirect_dma semaphore(%arg14 : memref<!tpu.dma_semaphore, #tpu.memory_space<semaphore_mem>>) src(%dma_wait3A_363 : memref<100000x1024xf32, #tpu.memory_space<hbm>>) dst(%arg7 : memref<16x1024xf32, #tpu.memory_space<vmem>>)
    %add3A_364 = arith.constant 240 : i32
    %add3A_365 = arith.addi %mul3A_34, %add3A_364 : i32
    %dma_start3A_366 = arith.constant 0 : i32
    %dma_start3A_367 = tpu.memref_slice %arg4[%add3A_365, %dma_start3A_366] : memref<16384x1024xf32, #tpu.memory_space<hbm>> -> memref<16x1024xf32, #tpu.memory_space<hbm>>
    %dma_start3A_368 = arith.constant 0 : i32
    %dma_start3A_369 = tpu.memref_slice %arg4[%add3A_365, %dma_start3A_368] : memref<16384x1024xf32, #tpu.memory_space<hbm>> -> memref<16x1024xf32, #tpu.memory_space<hbm>>
    tpu.enqueue_dma source(%arg7 : memref<16x1024xf32, #tpu.memory_space<vmem>>) target(%dma_start3A_369 : memref<16x1024xf32, #tpu.memory_space<hbm>>) target_semaphore(%arg21 : memref<!tpu.dma_semaphore, #tpu.memory_space<semaphore_mem>>)
    %dma_wait3A_370 = arith.constant 0 : i32
    %dma_wait3A_371 = tpu.memref_slice %arg4[%add3A_345, %dma_wait3A_370] : memref<16384x1024xf32, #tpu.memory_space<hbm>> -> memref<16x1024xf32, #tpu.memory_space<hbm>>
    %dma_wait3A_372 = arith.constant 0 : i32
    %dma_wait3A_373 = tpu.memref_slice %arg4[%add3A_345, %dma_wait3A_372] : memref<16384x1024xf32, #tpu.memory_space<hbm>> -> memref<16x1024xf32, #tpu.memory_space<hbm>>
    tpu.wait_dma2 semaphore(%arg20 : memref<!tpu.dma_semaphore, #tpu.memory_space<semaphore_mem>>) src(%arg6 : memref<16x1024xf32, #tpu.memory_space<vmem>>) dst(%dma_wait3A_373 : memref<16x1024xf32, #tpu.memory_space<hbm>>)
    %dma_start3A_374 = arith.constant 336 : i32
    %dma_start3A_375 = tpu.memref_slice %arg5[%dma_start3A_374] : memref<512xi32, #tpu.memory_space<vmem>> -> memref<16xi32, #tpu.memory_space<vmem>>
    %dma_start3A_376 = arith.constant 0 : i32
    %dma_start3A_377 = arith.constant 0 : i32
    %dma_start3A_378 = tpu.memref_slice %arg2[%dma_start3A_376, %dma_start3A_377] : memref<100000x1024xf32, #tpu.memory_space<hbm>> -> memref<100000x1024xf32, #tpu.memory_space<hbm>>
    tpu.enqueue_indirect_dma source(%dma_start3A_378 : memref<100000x1024xf32, #tpu.memory_space<hbm>>) target(%arg6 : memref<16x1024xf32, #tpu.memory_space<vmem>>) offsets(%dma_start3A_375 : memref<16xi32, #tpu.memory_space<vmem>>) semaphore(%arg13 : memref<!tpu.dma_semaphore, #tpu.memory_space<semaphore_mem>>)
    %dma_wait3A_379 = arith.constant 256 : i32
    %dma_wait3A_380 = tpu.memref_slice %arg5[%dma_wait3A_379] : memref<512xi32, #tpu.memory_space<vmem>> -> memref<16xi32, #tpu.memory_space<vmem>>
    %dma_wait3A_381 = arith.constant 0 : i32
    %dma_wait3A_382 = arith.constant 0 : i32
    %dma_wait3A_383 = tpu.memref_slice %arg2[%dma_wait3A_381, %dma_wait3A_382] : memref<100000x1024xf32, #tpu.memory_space<hbm>> -> memref<100000x1024xf32, #tpu.memory_space<hbm>>
    tpu.wait_indirect_dma semaphore(%arg15 : memref<!tpu.dma_semaphore, #tpu.memory_space<semaphore_mem>>) src(%dma_wait3A_383 : memref<100000x1024xf32, #tpu.memory_space<hbm>>) dst(%arg8 : memref<16x1024xf32, #tpu.memory_space<vmem>>)
    %add3A_384 = arith.constant 256 : i32
    %add3A_385 = arith.addi %mul3A_34, %add3A_384 : i32
    %dma_start3A_386 = arith.constant 0 : i32
    %dma_start3A_387 = tpu.memref_slice %arg4[%add3A_385, %dma_start3A_386] : memref<16384x1024xf32, #tpu.memory_space<hbm>> -> memref<16x1024xf32, #tpu.memory_space<hbm>>
    %dma_start3A_388 = arith.constant 0 : i32
    %dma_start3A_389 = tpu.memref_slice %arg4[%add3A_385, %dma_start3A_388] : memref<16384x1024xf32, #tpu.memory_space<hbm>> -> memref<16x1024xf32, #tpu.memory_space<hbm>>
    tpu.enqueue_dma source(%arg8 : memref<16x1024xf32, #tpu.memory_space<vmem>>) target(%dma_start3A_389 : memref<16x1024xf32, #tpu.memory_space<hbm>>) target_semaphore(%arg22 : memref<!tpu.dma_semaphore, #tpu.memory_space<semaphore_mem>>)
    %dma_wait3A_390 = arith.constant 0 : i32
    %dma_wait3A_391 = tpu.memref_slice %arg4[%add3A_365, %dma_wait3A_390] : memref<16384x1024xf32, #tpu.memory_space<hbm>> -> memref<16x1024xf32, #tpu.memory_space<hbm>>
    %dma_wait3A_392 = arith.constant 0 : i32
    %dma_wait3A_393 = tpu.memref_slice %arg4[%add3A_365, %dma_wait3A_392] : memref<16384x1024xf32, #tpu.memory_space<hbm>> -> memref<16x1024xf32, #tpu.memory_space<hbm>>
    tpu.wait_dma2 semaphore(%arg21 : memref<!tpu.dma_semaphore, #tpu.memory_space<semaphore_mem>>) src(%arg7 : memref<16x1024xf32, #tpu.memory_space<vmem>>) dst(%dma_wait3A_393 : memref<16x1024xf32, #tpu.memory_space<hbm>>)
    %dma_start3A_394 = arith.constant 352 : i32
    %dma_start3A_395 = tpu.memref_slice %arg5[%dma_start3A_394] : memref<512xi32, #tpu.memory_space<vmem>> -> memref<16xi32, #tpu.memory_space<vmem>>
    %dma_start3A_396 = arith.constant 0 : i32
    %dma_start3A_397 = arith.constant 0 : i32
    %dma_start3A_398 = tpu.memref_slice %arg2[%dma_start3A_396, %dma_start3A_397] : memref<100000x1024xf32, #tpu.memory_space<hbm>> -> memref<100000x1024xf32, #tpu.memory_space<hbm>>
    tpu.enqueue_indirect_dma source(%dma_start3A_398 : memref<100000x1024xf32, #tpu.memory_space<hbm>>) target(%arg7 : memref<16x1024xf32, #tpu.memory_space<vmem>>) offsets(%dma_start3A_395 : memref<16xi32, #tpu.memory_space<vmem>>) semaphore(%arg14 : memref<!tpu.dma_semaphore, #tpu.memory_space<semaphore_mem>>)
    %dma_wait3A_399 = arith.constant 272 : i32
    %dma_wait3A_400 = tpu.memref_slice %arg5[%dma_wait3A_399] : memref<512xi32, #tpu.memory_space<vmem>> -> memref<16xi32, #tpu.memory_space<vmem>>
    %dma_wait3A_401 = arith.constant 0 : i32
    %dma_wait3A_402 = arith.constant 0 : i32
    %dma_wait3A_403 = tpu.memref_slice %arg2[%dma_wait3A_401, %dma_wait3A_402] : memref<100000x1024xf32, #tpu.memory_space<hbm>> -> memref<100000x1024xf32, #tpu.memory_space<hbm>>
    tpu.wait_indirect_dma semaphore(%arg16 : memref<!tpu.dma_semaphore, #tpu.memory_space<semaphore_mem>>) src(%dma_wait3A_403 : memref<100000x1024xf32, #tpu.memory_space<hbm>>) dst(%arg9 : memref<16x1024xf32, #tpu.memory_space<vmem>>)
    %add3A_404 = arith.constant 272 : i32
    %add3A_405 = arith.addi %mul3A_34, %add3A_404 : i32
    %dma_start3A_406 = arith.constant 0 : i32
    %dma_start3A_407 = tpu.memref_slice %arg4[%add3A_405, %dma_start3A_406] : memref<16384x1024xf32, #tpu.memory_space<hbm>> -> memref<16x1024xf32, #tpu.memory_space<hbm>>
    %dma_start3A_408 = arith.constant 0 : i32
    %dma_start3A_409 = tpu.memref_slice %arg4[%add3A_405, %dma_start3A_408] : memref<16384x1024xf32, #tpu.memory_space<hbm>> -> memref<16x1024xf32, #tpu.memory_space<hbm>>
    tpu.enqueue_dma source(%arg9 : memref<16x1024xf32, #tpu.memory_space<vmem>>) target(%dma_start3A_409 : memref<16x1024xf32, #tpu.memory_space<hbm>>) target_semaphore(%arg23 : memref<!tpu.dma_semaphore, #tpu.memory_space<semaphore_mem>>)
    %dma_wait3A_410 = arith.constant 0 : i32
    %dma_wait3A_411 = tpu.memref_slice %arg4[%add3A_385, %dma_wait3A_410] : memref<16384x1024xf32, #tpu.memory_space<hbm>> -> memref<16x1024xf32, #tpu.memory_space<hbm>>
    %dma_wait3A_412 = arith.constant 0 : i32
    %dma_wait3A_413 = tpu.memref_slice %arg4[%add3A_385, %dma_wait3A_412] : memref<16384x1024xf32, #tpu.memory_space<hbm>> -> memref<16x1024xf32, #tpu.memory_space<hbm>>
    tpu.wait_dma2 semaphore(%arg22 : memref<!tpu.dma_semaphore, #tpu.memory_space<semaphore_mem>>) src(%arg8 : memref<16x1024xf32, #tpu.memory_space<vmem>>) dst(%dma_wait3A_413 : memref<16x1024xf32, #tpu.memory_space<hbm>>)
    %dma_start3A_414 = arith.constant 368 : i32
    %dma_start3A_415 = tpu.memref_slice %arg5[%dma_start3A_414] : memref<512xi32, #tpu.memory_space<vmem>> -> memref<16xi32, #tpu.memory_space<vmem>>
    %dma_start3A_416 = arith.constant 0 : i32
    %dma_start3A_417 = arith.constant 0 : i32
    %dma_start3A_418 = tpu.memref_slice %arg2[%dma_start3A_416, %dma_start3A_417] : memref<100000x1024xf32, #tpu.memory_space<hbm>> -> memref<100000x1024xf32, #tpu.memory_space<hbm>>
    tpu.enqueue_indirect_dma source(%dma_start3A_418 : memref<100000x1024xf32, #tpu.memory_space<hbm>>) target(%arg8 : memref<16x1024xf32, #tpu.memory_space<vmem>>) offsets(%dma_start3A_415 : memref<16xi32, #tpu.memory_space<vmem>>) semaphore(%arg15 : memref<!tpu.dma_semaphore, #tpu.memory_space<semaphore_mem>>)
    %dma_wait3A_419 = arith.constant 288 : i32
    %dma_wait3A_420 = tpu.memref_slice %arg5[%dma_wait3A_419] : memref<512xi32, #tpu.memory_space<vmem>> -> memref<16xi32, #tpu.memory_space<vmem>>
    %dma_wait3A_421 = arith.constant 0 : i32
    %dma_wait3A_422 = arith.constant 0 : i32
    %dma_wait3A_423 = tpu.memref_slice %arg2[%dma_wait3A_421, %dma_wait3A_422] : memref<100000x1024xf32, #tpu.memory_space<hbm>> -> memref<100000x1024xf32, #tpu.memory_space<hbm>>
    tpu.wait_indirect_dma semaphore(%arg17 : memref<!tpu.dma_semaphore, #tpu.memory_space<semaphore_mem>>) src(%dma_wait3A_423 : memref<100000x1024xf32, #tpu.memory_space<hbm>>) dst(%arg10 : memref<16x1024xf32, #tpu.memory_space<vmem>>)
    %add3A_424 = arith.constant 288 : i32
    %add3A_425 = arith.addi %mul3A_34, %add3A_424 : i32
    %dma_start3A_426 = arith.constant 0 : i32
    %dma_start3A_427 = tpu.memref_slice %arg4[%add3A_425, %dma_start3A_426] : memref<16384x1024xf32, #tpu.memory_space<hbm>> -> memref<16x1024xf32, #tpu.memory_space<hbm>>
    %dma_start3A_428 = arith.constant 0 : i32
    %dma_start3A_429 = tpu.memref_slice %arg4[%add3A_425, %dma_start3A_428] : memref<16384x1024xf32, #tpu.memory_space<hbm>> -> memref<16x1024xf32, #tpu.memory_space<hbm>>
    tpu.enqueue_dma source(%arg10 : memref<16x1024xf32, #tpu.memory_space<vmem>>) target(%dma_start3A_429 : memref<16x1024xf32, #tpu.memory_space<hbm>>) target_semaphore(%arg24 : memref<!tpu.dma_semaphore, #tpu.memory_space<semaphore_mem>>)
    %dma_wait3A_430 = arith.constant 0 : i32
    %dma_wait3A_431 = tpu.memref_slice %arg4[%add3A_405, %dma_wait3A_430] : memref<16384x1024xf32, #tpu.memory_space<hbm>> -> memref<16x1024xf32, #tpu.memory_space<hbm>>
    %dma_wait3A_432 = arith.constant 0 : i32
    %dma_wait3A_433 = tpu.memref_slice %arg4[%add3A_405, %dma_wait3A_432] : memref<16384x1024xf32, #tpu.memory_space<hbm>> -> memref<16x1024xf32, #tpu.memory_space<hbm>>
    tpu.wait_dma2 semaphore(%arg23 : memref<!tpu.dma_semaphore, #tpu.memory_space<semaphore_mem>>) src(%arg9 : memref<16x1024xf32, #tpu.memory_space<vmem>>) dst(%dma_wait3A_433 : memref<16x1024xf32, #tpu.memory_space<hbm>>)
    %dma_start3A_434 = arith.constant 384 : i32
    %dma_start3A_435 = tpu.memref_slice %arg5[%dma_start3A_434] : memref<512xi32, #tpu.memory_space<vmem>> -> memref<16xi32, #tpu.memory_space<vmem>>
    %dma_start3A_436 = arith.constant 0 : i32
    %dma_start3A_437 = arith.constant 0 : i32
    %dma_start3A_438 = tpu.memref_slice %arg2[%dma_start3A_436, %dma_start3A_437] : memref<100000x1024xf32, #tpu.memory_space<hbm>> -> memref<100000x1024xf32, #tpu.memory_space<hbm>>
    tpu.enqueue_indirect_dma source(%dma_start3A_438 : memref<100000x1024xf32, #tpu.memory_space<hbm>>) target(%arg9 : memref<16x1024xf32, #tpu.memory_space<vmem>>) offsets(%dma_start3A_435 : memref<16xi32, #tpu.memory_space<vmem>>) semaphore(%arg16 : memref<!tpu.dma_semaphore, #tpu.memory_space<semaphore_mem>>)
    %dma_wait3A_439 = arith.constant 304 : i32
    %dma_wait3A_440 = tpu.memref_slice %arg5[%dma_wait3A_439] : memref<512xi32, #tpu.memory_space<vmem>> -> memref<16xi32, #tpu.memory_space<vmem>>
    %dma_wait3A_441 = arith.constant 0 : i32
    %dma_wait3A_442 = arith.constant 0 : i32
    %dma_wait3A_443 = tpu.memref_slice %arg2[%dma_wait3A_441, %dma_wait3A_442] : memref<100000x1024xf32, #tpu.memory_space<hbm>> -> memref<100000x1024xf32, #tpu.memory_space<hbm>>
    tpu.wait_indirect_dma semaphore(%arg18 : memref<!tpu.dma_semaphore, #tpu.memory_space<semaphore_mem>>) src(%dma_wait3A_443 : memref<100000x1024xf32, #tpu.memory_space<hbm>>) dst(%arg11 : memref<16x1024xf32, #tpu.memory_space<vmem>>)
    %add3A_444 = arith.constant 304 : i32
    %add3A_445 = arith.addi %mul3A_34, %add3A_444 : i32
    %dma_start3A_446 = arith.constant 0 : i32
    %dma_start3A_447 = tpu.memref_slice %arg4[%add3A_445, %dma_start3A_446] : memref<16384x1024xf32, #tpu.memory_space<hbm>> -> memref<16x1024xf32, #tpu.memory_space<hbm>>
    %dma_start3A_448 = arith.constant 0 : i32
    %dma_start3A_449 = tpu.memref_slice %arg4[%add3A_445, %dma_start3A_448] : memref<16384x1024xf32, #tpu.memory_space<hbm>> -> memref<16x1024xf32, #tpu.memory_space<hbm>>
    tpu.enqueue_dma source(%arg11 : memref<16x1024xf32, #tpu.memory_space<vmem>>) target(%dma_start3A_449 : memref<16x1024xf32, #tpu.memory_space<hbm>>) target_semaphore(%arg25 : memref<!tpu.dma_semaphore, #tpu.memory_space<semaphore_mem>>)
    %dma_wait3A_450 = arith.constant 0 : i32
    %dma_wait3A_451 = tpu.memref_slice %arg4[%add3A_425, %dma_wait3A_450] : memref<16384x1024xf32, #tpu.memory_space<hbm>> -> memref<16x1024xf32, #tpu.memory_space<hbm>>
    %dma_wait3A_452 = arith.constant 0 : i32
    %dma_wait3A_453 = tpu.memref_slice %arg4[%add3A_425, %dma_wait3A_452] : memref<16384x1024xf32, #tpu.memory_space<hbm>> -> memref<16x1024xf32, #tpu.memory_space<hbm>>
    tpu.wait_dma2 semaphore(%arg24 : memref<!tpu.dma_semaphore, #tpu.memory_space<semaphore_mem>>) src(%arg10 : memref<16x1024xf32, #tpu.memory_space<vmem>>) dst(%dma_wait3A_453 : memref<16x1024xf32, #tpu.memory_space<hbm>>)
    %dma_start3A_454 = arith.constant 400 : i32
    %dma_start3A_455 = tpu.memref_slice %arg5[%dma_start3A_454] : memref<512xi32, #tpu.memory_space<vmem>> -> memref<16xi32, #tpu.memory_space<vmem>>
    %dma_start3A_456 = arith.constant 0 : i32
    %dma_start3A_457 = arith.constant 0 : i32
    %dma_start3A_458 = tpu.memref_slice %arg2[%dma_start3A_456, %dma_start3A_457] : memref<100000x1024xf32, #tpu.memory_space<hbm>> -> memref<100000x1024xf32, #tpu.memory_space<hbm>>
    tpu.enqueue_indirect_dma source(%dma_start3A_458 : memref<100000x1024xf32, #tpu.memory_space<hbm>>) target(%arg10 : memref<16x1024xf32, #tpu.memory_space<vmem>>) offsets(%dma_start3A_455 : memref<16xi32, #tpu.memory_space<vmem>>) semaphore(%arg17 : memref<!tpu.dma_semaphore, #tpu.memory_space<semaphore_mem>>)
    %dma_wait3A_459 = arith.constant 320 : i32
    %dma_wait3A_460 = tpu.memref_slice %arg5[%dma_wait3A_459] : memref<512xi32, #tpu.memory_space<vmem>> -> memref<16xi32, #tpu.memory_space<vmem>>
    %dma_wait3A_461 = arith.constant 0 : i32
    %dma_wait3A_462 = arith.constant 0 : i32
    %dma_wait3A_463 = tpu.memref_slice %arg2[%dma_wait3A_461, %dma_wait3A_462] : memref<100000x1024xf32, #tpu.memory_space<hbm>> -> memref<100000x1024xf32, #tpu.memory_space<hbm>>
    tpu.wait_indirect_dma semaphore(%arg19 : memref<!tpu.dma_semaphore, #tpu.memory_space<semaphore_mem>>) src(%dma_wait3A_463 : memref<100000x1024xf32, #tpu.memory_space<hbm>>) dst(%arg12 : memref<16x1024xf32, #tpu.memory_space<vmem>>)
    %add3A_464 = arith.constant 320 : i32
    %add3A_465 = arith.addi %mul3A_34, %add3A_464 : i32
    %dma_start3A_466 = arith.constant 0 : i32
    %dma_start3A_467 = tpu.memref_slice %arg4[%add3A_465, %dma_start3A_466] : memref<16384x1024xf32, #tpu.memory_space<hbm>> -> memref<16x1024xf32, #tpu.memory_space<hbm>>
    %dma_start3A_468 = arith.constant 0 : i32
    %dma_start3A_469 = tpu.memref_slice %arg4[%add3A_465, %dma_start3A_468] : memref<16384x1024xf32, #tpu.memory_space<hbm>> -> memref<16x1024xf32, #tpu.memory_space<hbm>>
    tpu.enqueue_dma source(%arg12 : memref<16x1024xf32, #tpu.memory_space<vmem>>) target(%dma_start3A_469 : memref<16x1024xf32, #tpu.memory_space<hbm>>) target_semaphore(%arg26 : memref<!tpu.dma_semaphore, #tpu.memory_space<semaphore_mem>>)
    %dma_wait3A_470 = arith.constant 0 : i32
    %dma_wait3A_471 = tpu.memref_slice %arg4[%add3A_445, %dma_wait3A_470] : memref<16384x1024xf32, #tpu.memory_space<hbm>> -> memref<16x1024xf32, #tpu.memory_space<hbm>>
    %dma_wait3A_472 = arith.constant 0 : i32
    %dma_wait3A_473 = tpu.memref_slice %arg4[%add3A_445, %dma_wait3A_472] : memref<16384x1024xf32, #tpu.memory_space<hbm>> -> memref<16x1024xf32, #tpu.memory_space<hbm>>
    tpu.wait_dma2 semaphore(%arg25 : memref<!tpu.dma_semaphore, #tpu.memory_space<semaphore_mem>>) src(%arg11 : memref<16x1024xf32, #tpu.memory_space<vmem>>) dst(%dma_wait3A_473 : memref<16x1024xf32, #tpu.memory_space<hbm>>)
    %dma_start3A_474 = arith.constant 416 : i32
    %dma_start3A_475 = tpu.memref_slice %arg5[%dma_start3A_474] : memref<512xi32, #tpu.memory_space<vmem>> -> memref<16xi32, #tpu.memory_space<vmem>>
    %dma_start3A_476 = arith.constant 0 : i32
    %dma_start3A_477 = arith.constant 0 : i32
    %dma_start3A_478 = tpu.memref_slice %arg2[%dma_start3A_476, %dma_start3A_477] : memref<100000x1024xf32, #tpu.memory_space<hbm>> -> memref<100000x1024xf32, #tpu.memory_space<hbm>>
    tpu.enqueue_indirect_dma source(%dma_start3A_478 : memref<100000x1024xf32, #tpu.memory_space<hbm>>) target(%arg11 : memref<16x1024xf32, #tpu.memory_space<vmem>>) offsets(%dma_start3A_475 : memref<16xi32, #tpu.memory_space<vmem>>) semaphore(%arg18 : memref<!tpu.dma_semaphore, #tpu.memory_space<semaphore_mem>>)
    %dma_wait3A_479 = arith.constant 336 : i32
    %dma_wait3A_480 = tpu.memref_slice %arg5[%dma_wait3A_479] : memref<512xi32, #tpu.memory_space<vmem>> -> memref<16xi32, #tpu.memory_space<vmem>>
    %dma_wait3A_481 = arith.constant 0 : i32
    %dma_wait3A_482 = arith.constant 0 : i32
    %dma_wait3A_483 = tpu.memref_slice %arg2[%dma_wait3A_481, %dma_wait3A_482] : memref<100000x1024xf32, #tpu.memory_space<hbm>> -> memref<100000x1024xf32, #tpu.memory_space<hbm>>
    tpu.wait_indirect_dma semaphore(%arg13 : memref<!tpu.dma_semaphore, #tpu.memory_space<semaphore_mem>>) src(%dma_wait3A_483 : memref<100000x1024xf32, #tpu.memory_space<hbm>>) dst(%arg6 : memref<16x1024xf32, #tpu.memory_space<vmem>>)
    %add3A_484 = arith.constant 336 : i32
    %add3A_485 = arith.addi %mul3A_34, %add3A_484 : i32
    %dma_start3A_486 = arith.constant 0 : i32
    %dma_start3A_487 = tpu.memref_slice %arg4[%add3A_485, %dma_start3A_486] : memref<16384x1024xf32, #tpu.memory_space<hbm>> -> memref<16x1024xf32, #tpu.memory_space<hbm>>
    %dma_start3A_488 = arith.constant 0 : i32
    %dma_start3A_489 = tpu.memref_slice %arg4[%add3A_485, %dma_start3A_488] : memref<16384x1024xf32, #tpu.memory_space<hbm>> -> memref<16x1024xf32, #tpu.memory_space<hbm>>
    tpu.enqueue_dma source(%arg6 : memref<16x1024xf32, #tpu.memory_space<vmem>>) target(%dma_start3A_489 : memref<16x1024xf32, #tpu.memory_space<hbm>>) target_semaphore(%arg20 : memref<!tpu.dma_semaphore, #tpu.memory_space<semaphore_mem>>)
    %dma_wait3A_490 = arith.constant 0 : i32
    %dma_wait3A_491 = tpu.memref_slice %arg4[%add3A_465, %dma_wait3A_490] : memref<16384x1024xf32, #tpu.memory_space<hbm>> -> memref<16x1024xf32, #tpu.memory_space<hbm>>
    %dma_wait3A_492 = arith.constant 0 : i32
    %dma_wait3A_493 = tpu.memref_slice %arg4[%add3A_465, %dma_wait3A_492] : memref<16384x1024xf32, #tpu.memory_space<hbm>> -> memref<16x1024xf32, #tpu.memory_space<hbm>>
    tpu.wait_dma2 semaphore(%arg26 : memref<!tpu.dma_semaphore, #tpu.memory_space<semaphore_mem>>) src(%arg12 : memref<16x1024xf32, #tpu.memory_space<vmem>>) dst(%dma_wait3A_493 : memref<16x1024xf32, #tpu.memory_space<hbm>>)
    %dma_start3A_494 = arith.constant 432 : i32
    %dma_start3A_495 = tpu.memref_slice %arg5[%dma_start3A_494] : memref<512xi32, #tpu.memory_space<vmem>> -> memref<16xi32, #tpu.memory_space<vmem>>
    %dma_start3A_496 = arith.constant 0 : i32
    %dma_start3A_497 = arith.constant 0 : i32
    %dma_start3A_498 = tpu.memref_slice %arg2[%dma_start3A_496, %dma_start3A_497] : memref<100000x1024xf32, #tpu.memory_space<hbm>> -> memref<100000x1024xf32, #tpu.memory_space<hbm>>
    tpu.enqueue_indirect_dma source(%dma_start3A_498 : memref<100000x1024xf32, #tpu.memory_space<hbm>>) target(%arg12 : memref<16x1024xf32, #tpu.memory_space<vmem>>) offsets(%dma_start3A_495 : memref<16xi32, #tpu.memory_space<vmem>>) semaphore(%arg19 : memref<!tpu.dma_semaphore, #tpu.memory_space<semaphore_mem>>)
    %dma_wait3A_499 = arith.constant 352 : i32
    %dma_wait3A_500 = tpu.memref_slice %arg5[%dma_wait3A_499] : memref<512xi32, #tpu.memory_space<vmem>> -> memref<16xi32, #tpu.memory_space<vmem>>
    %dma_wait3A_501 = arith.constant 0 : i32
    %dma_wait3A_502 = arith.constant 0 : i32
    %dma_wait3A_503 = tpu.memref_slice %arg2[%dma_wait3A_501, %dma_wait3A_502] : memref<100000x1024xf32, #tpu.memory_space<hbm>> -> memref<100000x1024xf32, #tpu.memory_space<hbm>>
    tpu.wait_indirect_dma semaphore(%arg14 : memref<!tpu.dma_semaphore, #tpu.memory_space<semaphore_mem>>) src(%dma_wait3A_503 : memref<100000x1024xf32, #tpu.memory_space<hbm>>) dst(%arg7 : memref<16x1024xf32, #tpu.memory_space<vmem>>)
    %add3A_504 = arith.constant 352 : i32
    %add3A_505 = arith.addi %mul3A_34, %add3A_504 : i32
    %dma_start3A_506 = arith.constant 0 : i32
    %dma_start3A_507 = tpu.memref_slice %arg4[%add3A_505, %dma_start3A_506] : memref<16384x1024xf32, #tpu.memory_space<hbm>> -> memref<16x1024xf32, #tpu.memory_space<hbm>>
    %dma_start3A_508 = arith.constant 0 : i32
    %dma_start3A_509 = tpu.memref_slice %arg4[%add3A_505, %dma_start3A_508] : memref<16384x1024xf32, #tpu.memory_space<hbm>> -> memref<16x1024xf32, #tpu.memory_space<hbm>>
    tpu.enqueue_dma source(%arg7 : memref<16x1024xf32, #tpu.memory_space<vmem>>) target(%dma_start3A_509 : memref<16x1024xf32, #tpu.memory_space<hbm>>) target_semaphore(%arg21 : memref<!tpu.dma_semaphore, #tpu.memory_space<semaphore_mem>>)
    %dma_wait3A_510 = arith.constant 0 : i32
    %dma_wait3A_511 = tpu.memref_slice %arg4[%add3A_485, %dma_wait3A_510] : memref<16384x1024xf32, #tpu.memory_space<hbm>> -> memref<16x1024xf32, #tpu.memory_space<hbm>>
    %dma_wait3A_512 = arith.constant 0 : i32
    %dma_wait3A_513 = tpu.memref_slice %arg4[%add3A_485, %dma_wait3A_512] : memref<16384x1024xf32, #tpu.memory_space<hbm>> -> memref<16x1024xf32, #tpu.memory_space<hbm>>
    tpu.wait_dma2 semaphore(%arg20 : memref<!tpu.dma_semaphore, #tpu.memory_space<semaphore_mem>>) src(%arg6 : memref<16x1024xf32, #tpu.memory_space<vmem>>) dst(%dma_wait3A_513 : memref<16x1024xf32, #tpu.memory_space<hbm>>)
    %dma_start3A_514 = arith.constant 448 : i32
    %dma_start3A_515 = tpu.memref_slice %arg5[%dma_start3A_514] : memref<512xi32, #tpu.memory_space<vmem>> -> memref<16xi32, #tpu.memory_space<vmem>>
    %dma_start3A_516 = arith.constant 0 : i32
    %dma_start3A_517 = arith.constant 0 : i32
    %dma_start3A_518 = tpu.memref_slice %arg2[%dma_start3A_516, %dma_start3A_517] : memref<100000x1024xf32, #tpu.memory_space<hbm>> -> memref<100000x1024xf32, #tpu.memory_space<hbm>>
    tpu.enqueue_indirect_dma source(%dma_start3A_518 : memref<100000x1024xf32, #tpu.memory_space<hbm>>) target(%arg6 : memref<16x1024xf32, #tpu.memory_space<vmem>>) offsets(%dma_start3A_515 : memref<16xi32, #tpu.memory_space<vmem>>) semaphore(%arg13 : memref<!tpu.dma_semaphore, #tpu.memory_space<semaphore_mem>>)
    %dma_wait3A_519 = arith.constant 368 : i32
    %dma_wait3A_520 = tpu.memref_slice %arg5[%dma_wait3A_519] : memref<512xi32, #tpu.memory_space<vmem>> -> memref<16xi32, #tpu.memory_space<vmem>>
    %dma_wait3A_521 = arith.constant 0 : i32
    %dma_wait3A_522 = arith.constant 0 : i32
    %dma_wait3A_523 = tpu.memref_slice %arg2[%dma_wait3A_521, %dma_wait3A_522] : memref<100000x1024xf32, #tpu.memory_space<hbm>> -> memref<100000x1024xf32, #tpu.memory_space<hbm>>
    tpu.wait_indirect_dma semaphore(%arg15 : memref<!tpu.dma_semaphore, #tpu.memory_space<semaphore_mem>>) src(%dma_wait3A_523 : memref<100000x1024xf32, #tpu.memory_space<hbm>>) dst(%arg8 : memref<16x1024xf32, #tpu.memory_space<vmem>>)
    %add3A_524 = arith.constant 368 : i32
    %add3A_525 = arith.addi %mul3A_34, %add3A_524 : i32
    %dma_start3A_526 = arith.constant 0 : i32
    %dma_start3A_527 = tpu.memref_slice %arg4[%add3A_525, %dma_start3A_526] : memref<16384x1024xf32, #tpu.memory_space<hbm>> -> memref<16x1024xf32, #tpu.memory_space<hbm>>
    %dma_start3A_528 = arith.constant 0 : i32
    %dma_start3A_529 = tpu.memref_slice %arg4[%add3A_525, %dma_start3A_528] : memref<16384x1024xf32, #tpu.memory_space<hbm>> -> memref<16x1024xf32, #tpu.memory_space<hbm>>
    tpu.enqueue_dma source(%arg8 : memref<16x1024xf32, #tpu.memory_space<vmem>>) target(%dma_start3A_529 : memref<16x1024xf32, #tpu.memory_space<hbm>>) target_semaphore(%arg22 : memref<!tpu.dma_semaphore, #tpu.memory_space<semaphore_mem>>)
    %dma_wait3A_530 = arith.constant 0 : i32
    %dma_wait3A_531 = tpu.memref_slice %arg4[%add3A_505, %dma_wait3A_530] : memref<16384x1024xf32, #tpu.memory_space<hbm>> -> memref<16x1024xf32, #tpu.memory_space<hbm>>
    %dma_wait3A_532 = arith.constant 0 : i32
    %dma_wait3A_533 = tpu.memref_slice %arg4[%add3A_505, %dma_wait3A_532] : memref<16384x1024xf32, #tpu.memory_space<hbm>> -> memref<16x1024xf32, #tpu.memory_space<hbm>>
    tpu.wait_dma2 semaphore(%arg21 : memref<!tpu.dma_semaphore, #tpu.memory_space<semaphore_mem>>) src(%arg7 : memref<16x1024xf32, #tpu.memory_space<vmem>>) dst(%dma_wait3A_533 : memref<16x1024xf32, #tpu.memory_space<hbm>>)
    %dma_start3A_534 = arith.constant 464 : i32
    %dma_start3A_535 = tpu.memref_slice %arg5[%dma_start3A_534] : memref<512xi32, #tpu.memory_space<vmem>> -> memref<16xi32, #tpu.memory_space<vmem>>
    %dma_start3A_536 = arith.constant 0 : i32
    %dma_start3A_537 = arith.constant 0 : i32
    %dma_start3A_538 = tpu.memref_slice %arg2[%dma_start3A_536, %dma_start3A_537] : memref<100000x1024xf32, #tpu.memory_space<hbm>> -> memref<100000x1024xf32, #tpu.memory_space<hbm>>
    tpu.enqueue_indirect_dma source(%dma_start3A_538 : memref<100000x1024xf32, #tpu.memory_space<hbm>>) target(%arg7 : memref<16x1024xf32, #tpu.memory_space<vmem>>) offsets(%dma_start3A_535 : memref<16xi32, #tpu.memory_space<vmem>>) semaphore(%arg14 : memref<!tpu.dma_semaphore, #tpu.memory_space<semaphore_mem>>)
    %dma_wait3A_539 = arith.constant 384 : i32
    %dma_wait3A_540 = tpu.memref_slice %arg5[%dma_wait3A_539] : memref<512xi32, #tpu.memory_space<vmem>> -> memref<16xi32, #tpu.memory_space<vmem>>
    %dma_wait3A_541 = arith.constant 0 : i32
    %dma_wait3A_542 = arith.constant 0 : i32
    %dma_wait3A_543 = tpu.memref_slice %arg2[%dma_wait3A_541, %dma_wait3A_542] : memref<100000x1024xf32, #tpu.memory_space<hbm>> -> memref<100000x1024xf32, #tpu.memory_space<hbm>>
    tpu.wait_indirect_dma semaphore(%arg16 : memref<!tpu.dma_semaphore, #tpu.memory_space<semaphore_mem>>) src(%dma_wait3A_543 : memref<100000x1024xf32, #tpu.memory_space<hbm>>) dst(%arg9 : memref<16x1024xf32, #tpu.memory_space<vmem>>)
    %add3A_544 = arith.constant 384 : i32
    %add3A_545 = arith.addi %mul3A_34, %add3A_544 : i32
    %dma_start3A_546 = arith.constant 0 : i32
    %dma_start3A_547 = tpu.memref_slice %arg4[%add3A_545, %dma_start3A_546] : memref<16384x1024xf32, #tpu.memory_space<hbm>> -> memref<16x1024xf32, #tpu.memory_space<hbm>>
    %dma_start3A_548 = arith.constant 0 : i32
    %dma_start3A_549 = tpu.memref_slice %arg4[%add3A_545, %dma_start3A_548] : memref<16384x1024xf32, #tpu.memory_space<hbm>> -> memref<16x1024xf32, #tpu.memory_space<hbm>>
    tpu.enqueue_dma source(%arg9 : memref<16x1024xf32, #tpu.memory_space<vmem>>) target(%dma_start3A_549 : memref<16x1024xf32, #tpu.memory_space<hbm>>) target_semaphore(%arg23 : memref<!tpu.dma_semaphore, #tpu.memory_space<semaphore_mem>>)
    %dma_wait3A_550 = arith.constant 0 : i32
    %dma_wait3A_551 = tpu.memref_slice %arg4[%add3A_525, %dma_wait3A_550] : memref<16384x1024xf32, #tpu.memory_space<hbm>> -> memref<16x1024xf32, #tpu.memory_space<hbm>>
    %dma_wait3A_552 = arith.constant 0 : i32
    %dma_wait3A_553 = tpu.memref_slice %arg4[%add3A_525, %dma_wait3A_552] : memref<16384x1024xf32, #tpu.memory_space<hbm>> -> memref<16x1024xf32, #tpu.memory_space<hbm>>
    tpu.wait_dma2 semaphore(%arg22 : memref<!tpu.dma_semaphore, #tpu.memory_space<semaphore_mem>>) src(%arg8 : memref<16x1024xf32, #tpu.memory_space<vmem>>) dst(%dma_wait3A_553 : memref<16x1024xf32, #tpu.memory_space<hbm>>)
    %dma_start3A_554 = arith.constant 480 : i32
    %dma_start3A_555 = tpu.memref_slice %arg5[%dma_start3A_554] : memref<512xi32, #tpu.memory_space<vmem>> -> memref<16xi32, #tpu.memory_space<vmem>>
    %dma_start3A_556 = arith.constant 0 : i32
    %dma_start3A_557 = arith.constant 0 : i32
    %dma_start3A_558 = tpu.memref_slice %arg2[%dma_start3A_556, %dma_start3A_557] : memref<100000x1024xf32, #tpu.memory_space<hbm>> -> memref<100000x1024xf32, #tpu.memory_space<hbm>>
    tpu.enqueue_indirect_dma source(%dma_start3A_558 : memref<100000x1024xf32, #tpu.memory_space<hbm>>) target(%arg8 : memref<16x1024xf32, #tpu.memory_space<vmem>>) offsets(%dma_start3A_555 : memref<16xi32, #tpu.memory_space<vmem>>) semaphore(%arg15 : memref<!tpu.dma_semaphore, #tpu.memory_space<semaphore_mem>>)
    %dma_wait3A_559 = arith.constant 400 : i32
    %dma_wait3A_560 = tpu.memref_slice %arg5[%dma_wait3A_559] : memref<512xi32, #tpu.memory_space<vmem>> -> memref<16xi32, #tpu.memory_space<vmem>>
    %dma_wait3A_561 = arith.constant 0 : i32
    %dma_wait3A_562 = arith.constant 0 : i32
    %dma_wait3A_563 = tpu.memref_slice %arg2[%dma_wait3A_561, %dma_wait3A_562] : memref<100000x1024xf32, #tpu.memory_space<hbm>> -> memref<100000x1024xf32, #tpu.memory_space<hbm>>
    tpu.wait_indirect_dma semaphore(%arg17 : memref<!tpu.dma_semaphore, #tpu.memory_space<semaphore_mem>>) src(%dma_wait3A_563 : memref<100000x1024xf32, #tpu.memory_space<hbm>>) dst(%arg10 : memref<16x1024xf32, #tpu.memory_space<vmem>>)
    %add3A_564 = arith.constant 400 : i32
    %add3A_565 = arith.addi %mul3A_34, %add3A_564 : i32
    %dma_start3A_566 = arith.constant 0 : i32
    %dma_start3A_567 = tpu.memref_slice %arg4[%add3A_565, %dma_start3A_566] : memref<16384x1024xf32, #tpu.memory_space<hbm>> -> memref<16x1024xf32, #tpu.memory_space<hbm>>
    %dma_start3A_568 = arith.constant 0 : i32
    %dma_start3A_569 = tpu.memref_slice %arg4[%add3A_565, %dma_start3A_568] : memref<16384x1024xf32, #tpu.memory_space<hbm>> -> memref<16x1024xf32, #tpu.memory_space<hbm>>
    tpu.enqueue_dma source(%arg10 : memref<16x1024xf32, #tpu.memory_space<vmem>>) target(%dma_start3A_569 : memref<16x1024xf32, #tpu.memory_space<hbm>>) target_semaphore(%arg24 : memref<!tpu.dma_semaphore, #tpu.memory_space<semaphore_mem>>)
    %dma_wait3A_570 = arith.constant 0 : i32
    %dma_wait3A_571 = tpu.memref_slice %arg4[%add3A_545, %dma_wait3A_570] : memref<16384x1024xf32, #tpu.memory_space<hbm>> -> memref<16x1024xf32, #tpu.memory_space<hbm>>
    %dma_wait3A_572 = arith.constant 0 : i32
    %dma_wait3A_573 = tpu.memref_slice %arg4[%add3A_545, %dma_wait3A_572] : memref<16384x1024xf32, #tpu.memory_space<hbm>> -> memref<16x1024xf32, #tpu.memory_space<hbm>>
    tpu.wait_dma2 semaphore(%arg23 : memref<!tpu.dma_semaphore, #tpu.memory_space<semaphore_mem>>) src(%arg9 : memref<16x1024xf32, #tpu.memory_space<vmem>>) dst(%dma_wait3A_573 : memref<16x1024xf32, #tpu.memory_space<hbm>>)
    %dma_start3A_574 = arith.constant 496 : i32
    %dma_start3A_575 = tpu.memref_slice %arg5[%dma_start3A_574] : memref<512xi32, #tpu.memory_space<vmem>> -> memref<16xi32, #tpu.memory_space<vmem>>
    %dma_start3A_576 = arith.constant 0 : i32
    %dma_start3A_577 = arith.constant 0 : i32
    %dma_start3A_578 = tpu.memref_slice %arg2[%dma_start3A_576, %dma_start3A_577] : memref<100000x1024xf32, #tpu.memory_space<hbm>> -> memref<100000x1024xf32, #tpu.memory_space<hbm>>
    tpu.enqueue_indirect_dma source(%dma_start3A_578 : memref<100000x1024xf32, #tpu.memory_space<hbm>>) target(%arg9 : memref<16x1024xf32, #tpu.memory_space<vmem>>) offsets(%dma_start3A_575 : memref<16xi32, #tpu.memory_space<vmem>>) semaphore(%arg16 : memref<!tpu.dma_semaphore, #tpu.memory_space<semaphore_mem>>)
    %dma_wait3A_579 = arith.constant 416 : i32
    %dma_wait3A_580 = tpu.memref_slice %arg5[%dma_wait3A_579] : memref<512xi32, #tpu.memory_space<vmem>> -> memref<16xi32, #tpu.memory_space<vmem>>
    %dma_wait3A_581 = arith.constant 0 : i32
    %dma_wait3A_582 = arith.constant 0 : i32
    %dma_wait3A_583 = tpu.memref_slice %arg2[%dma_wait3A_581, %dma_wait3A_582] : memref<100000x1024xf32, #tpu.memory_space<hbm>> -> memref<100000x1024xf32, #tpu.memory_space<hbm>>
    tpu.wait_indirect_dma semaphore(%arg18 : memref<!tpu.dma_semaphore, #tpu.memory_space<semaphore_mem>>) src(%dma_wait3A_583 : memref<100000x1024xf32, #tpu.memory_space<hbm>>) dst(%arg11 : memref<16x1024xf32, #tpu.memory_space<vmem>>)
    %add3A_584 = arith.constant 416 : i32
    %add3A_585 = arith.addi %mul3A_34, %add3A_584 : i32
    %dma_start3A_586 = arith.constant 0 : i32
    %dma_start3A_587 = tpu.memref_slice %arg4[%add3A_585, %dma_start3A_586] : memref<16384x1024xf32, #tpu.memory_space<hbm>> -> memref<16x1024xf32, #tpu.memory_space<hbm>>
    %dma_start3A_588 = arith.constant 0 : i32
    %dma_start3A_589 = tpu.memref_slice %arg4[%add3A_585, %dma_start3A_588] : memref<16384x1024xf32, #tpu.memory_space<hbm>> -> memref<16x1024xf32, #tpu.memory_space<hbm>>
    tpu.enqueue_dma source(%arg11 : memref<16x1024xf32, #tpu.memory_space<vmem>>) target(%dma_start3A_589 : memref<16x1024xf32, #tpu.memory_space<hbm>>) target_semaphore(%arg25 : memref<!tpu.dma_semaphore, #tpu.memory_space<semaphore_mem>>)
    %dma_wait3A_590 = arith.constant 432 : i32
    %dma_wait3A_591 = tpu.memref_slice %arg5[%dma_wait3A_590] : memref<512xi32, #tpu.memory_space<vmem>> -> memref<16xi32, #tpu.memory_space<vmem>>
    %dma_wait3A_592 = arith.constant 0 : i32
    %dma_wait3A_593 = arith.constant 0 : i32
    %dma_wait3A_594 = tpu.memref_slice %arg2[%dma_wait3A_592, %dma_wait3A_593] : memref<100000x1024xf32, #tpu.memory_space<hbm>> -> memref<100000x1024xf32, #tpu.memory_space<hbm>>
    tpu.wait_indirect_dma semaphore(%arg19 : memref<!tpu.dma_semaphore, #tpu.memory_space<semaphore_mem>>) src(%dma_wait3A_594 : memref<100000x1024xf32, #tpu.memory_space<hbm>>) dst(%arg12 : memref<16x1024xf32, #tpu.memory_space<vmem>>)
    %add3A_595 = arith.constant 432 : i32
    %add3A_596 = arith.addi %mul3A_34, %add3A_595 : i32
    %dma_start3A_597 = arith.constant 0 : i32
    %dma_start3A_598 = tpu.memref_slice %arg4[%add3A_596, %dma_start3A_597] : memref<16384x1024xf32, #tpu.memory_space<hbm>> -> memref<16x1024xf32, #tpu.memory_space<hbm>>
    %dma_start3A_599 = arith.constant 0 : i32
    %dma_start3A_600 = tpu.memref_slice %arg4[%add3A_596, %dma_start3A_599] : memref<16384x1024xf32, #tpu.memory_space<hbm>> -> memref<16x1024xf32, #tpu.memory_space<hbm>>
    tpu.enqueue_dma source(%arg12 : memref<16x1024xf32, #tpu.memory_space<vmem>>) target(%dma_start3A_600 : memref<16x1024xf32, #tpu.memory_space<hbm>>) target_semaphore(%arg26 : memref<!tpu.dma_semaphore, #tpu.memory_space<semaphore_mem>>)
    %dma_wait3A_601 = arith.constant 448 : i32
    %dma_wait3A_602 = tpu.memref_slice %arg5[%dma_wait3A_601] : memref<512xi32, #tpu.memory_space<vmem>> -> memref<16xi32, #tpu.memory_space<vmem>>
    %dma_wait3A_603 = arith.constant 0 : i32
    %dma_wait3A_604 = arith.constant 0 : i32
    %dma_wait3A_605 = tpu.memref_slice %arg2[%dma_wait3A_603, %dma_wait3A_604] : memref<100000x1024xf32, #tpu.memory_space<hbm>> -> memref<100000x1024xf32, #tpu.memory_space<hbm>>
    tpu.wait_indirect_dma semaphore(%arg13 : memref<!tpu.dma_semaphore, #tpu.memory_space<semaphore_mem>>) src(%dma_wait3A_605 : memref<100000x1024xf32, #tpu.memory_space<hbm>>) dst(%arg6 : memref<16x1024xf32, #tpu.memory_space<vmem>>)
    %add3A_606 = arith.constant 448 : i32
    %add3A_607 = arith.addi %mul3A_34, %add3A_606 : i32
    %dma_start3A_608 = arith.constant 0 : i32
    %dma_start3A_609 = tpu.memref_slice %arg4[%add3A_607, %dma_start3A_608] : memref<16384x1024xf32, #tpu.memory_space<hbm>> -> memref<16x1024xf32, #tpu.memory_space<hbm>>
    %dma_start3A_610 = arith.constant 0 : i32
    %dma_start3A_611 = tpu.memref_slice %arg4[%add3A_607, %dma_start3A_610] : memref<16384x1024xf32, #tpu.memory_space<hbm>> -> memref<16x1024xf32, #tpu.memory_space<hbm>>
    tpu.enqueue_dma source(%arg6 : memref<16x1024xf32, #tpu.memory_space<vmem>>) target(%dma_start3A_611 : memref<16x1024xf32, #tpu.memory_space<hbm>>) target_semaphore(%arg20 : memref<!tpu.dma_semaphore, #tpu.memory_space<semaphore_mem>>)
    %dma_wait3A_612 = arith.constant 464 : i32
    %dma_wait3A_613 = tpu.memref_slice %arg5[%dma_wait3A_612] : memref<512xi32, #tpu.memory_space<vmem>> -> memref<16xi32, #tpu.memory_space<vmem>>
    %dma_wait3A_614 = arith.constant 0 : i32
    %dma_wait3A_615 = arith.constant 0 : i32
    %dma_wait3A_616 = tpu.memref_slice %arg2[%dma_wait3A_614, %dma_wait3A_615] : memref<100000x1024xf32, #tpu.memory_space<hbm>> -> memref<100000x1024xf32, #tpu.memory_space<hbm>>
    tpu.wait_indirect_dma semaphore(%arg14 : memref<!tpu.dma_semaphore, #tpu.memory_space<semaphore_mem>>) src(%dma_wait3A_616 : memref<100000x1024xf32, #tpu.memory_space<hbm>>) dst(%arg7 : memref<16x1024xf32, #tpu.memory_space<vmem>>)
    %add3A_617 = arith.constant 464 : i32
    %add3A_618 = arith.addi %mul3A_34, %add3A_617 : i32
    %dma_start3A_619 = arith.constant 0 : i32
    %dma_start3A_620 = tpu.memref_slice %arg4[%add3A_618, %dma_start3A_619] : memref<16384x1024xf32, #tpu.memory_space<hbm>> -> memref<16x1024xf32, #tpu.memory_space<hbm>>
    %dma_start3A_621 = arith.constant 0 : i32
    %dma_start3A_622 = tpu.memref_slice %arg4[%add3A_618, %dma_start3A_621] : memref<16384x1024xf32, #tpu.memory_space<hbm>> -> memref<16x1024xf32, #tpu.memory_space<hbm>>
    tpu.enqueue_dma source(%arg7 : memref<16x1024xf32, #tpu.memory_space<vmem>>) target(%dma_start3A_622 : memref<16x1024xf32, #tpu.memory_space<hbm>>) target_semaphore(%arg21 : memref<!tpu.dma_semaphore, #tpu.memory_space<semaphore_mem>>)
    %dma_wait3A_623 = arith.constant 480 : i32
    %dma_wait3A_624 = tpu.memref_slice %arg5[%dma_wait3A_623] : memref<512xi32, #tpu.memory_space<vmem>> -> memref<16xi32, #tpu.memory_space<vmem>>
    %dma_wait3A_625 = arith.constant 0 : i32
    %dma_wait3A_626 = arith.constant 0 : i32
    %dma_wait3A_627 = tpu.memref_slice %arg2[%dma_wait3A_625, %dma_wait3A_626] : memref<100000x1024xf32, #tpu.memory_space<hbm>> -> memref<100000x1024xf32, #tpu.memory_space<hbm>>
    tpu.wait_indirect_dma semaphore(%arg15 : memref<!tpu.dma_semaphore, #tpu.memory_space<semaphore_mem>>) src(%dma_wait3A_627 : memref<100000x1024xf32, #tpu.memory_space<hbm>>) dst(%arg8 : memref<16x1024xf32, #tpu.memory_space<vmem>>)
    %add3A_628 = arith.constant 480 : i32
    %add3A_629 = arith.addi %mul3A_34, %add3A_628 : i32
    %dma_start3A_630 = arith.constant 0 : i32
    %dma_start3A_631 = tpu.memref_slice %arg4[%add3A_629, %dma_start3A_630] : memref<16384x1024xf32, #tpu.memory_space<hbm>> -> memref<16x1024xf32, #tpu.memory_space<hbm>>
    %dma_start3A_632 = arith.constant 0 : i32
    %dma_start3A_633 = tpu.memref_slice %arg4[%add3A_629, %dma_start3A_632] : memref<16384x1024xf32, #tpu.memory_space<hbm>> -> memref<16x1024xf32, #tpu.memory_space<hbm>>
    tpu.enqueue_dma source(%arg8 : memref<16x1024xf32, #tpu.memory_space<vmem>>) target(%dma_start3A_633 : memref<16x1024xf32, #tpu.memory_space<hbm>>) target_semaphore(%arg22 : memref<!tpu.dma_semaphore, #tpu.memory_space<semaphore_mem>>)
    %dma_wait3A_634 = arith.constant 496 : i32
    %dma_wait3A_635 = tpu.memref_slice %arg5[%dma_wait3A_634] : memref<512xi32, #tpu.memory_space<vmem>> -> memref<16xi32, #tpu.memory_space<vmem>>
    %dma_wait3A_636 = arith.constant 0 : i32
    %dma_wait3A_637 = arith.constant 0 : i32
    %dma_wait3A_638 = tpu.memref_slice %arg2[%dma_wait3A_636, %dma_wait3A_637] : memref<100000x1024xf32, #tpu.memory_space<hbm>> -> memref<100000x1024xf32, #tpu.memory_space<hbm>>
    tpu.wait_indirect_dma semaphore(%arg16 : memref<!tpu.dma_semaphore, #tpu.memory_space<semaphore_mem>>) src(%dma_wait3A_638 : memref<100000x1024xf32, #tpu.memory_space<hbm>>) dst(%arg9 : memref<16x1024xf32, #tpu.memory_space<vmem>>)
    %add3A_639 = arith.constant 496 : i32
    %add3A_640 = arith.addi %mul3A_34, %add3A_639 : i32
    %dma_start3A_641 = arith.constant 0 : i32
    %dma_start3A_642 = tpu.memref_slice %arg4[%add3A_640, %dma_start3A_641] : memref<16384x1024xf32, #tpu.memory_space<hbm>> -> memref<16x1024xf32, #tpu.memory_space<hbm>>
    %dma_start3A_643 = arith.constant 0 : i32
    %dma_start3A_644 = tpu.memref_slice %arg4[%add3A_640, %dma_start3A_643] : memref<16384x1024xf32, #tpu.memory_space<hbm>> -> memref<16x1024xf32, #tpu.memory_space<hbm>>
    tpu.enqueue_dma source(%arg9 : memref<16x1024xf32, #tpu.memory_space<vmem>>) target(%dma_start3A_644 : memref<16x1024xf32, #tpu.memory_space<hbm>>) target_semaphore(%arg23 : memref<!tpu.dma_semaphore, #tpu.memory_space<semaphore_mem>>)
    %dma_wait3A_645 = arith.constant 0 : i32
    %dma_wait3A_646 = tpu.memref_slice %arg4[%add3A_565, %dma_wait3A_645] : memref<16384x1024xf32, #tpu.memory_space<hbm>> -> memref<16x1024xf32, #tpu.memory_space<hbm>>
    %dma_wait3A_647 = arith.constant 0 : i32
    %dma_wait3A_648 = tpu.memref_slice %arg4[%add3A_565, %dma_wait3A_647] : memref<16384x1024xf32, #tpu.memory_space<hbm>> -> memref<16x1024xf32, #tpu.memory_space<hbm>>
    tpu.wait_dma2 semaphore(%arg24 : memref<!tpu.dma_semaphore, #tpu.memory_space<semaphore_mem>>) src(%arg10 : memref<16x1024xf32, #tpu.memory_space<vmem>>) dst(%dma_wait3A_648 : memref<16x1024xf32, #tpu.memory_space<hbm>>)
    %dma_wait3A_649 = arith.constant 0 : i32
    %dma_wait3A_650 = tpu.memref_slice %arg4[%add3A_585, %dma_wait3A_649] : memref<16384x1024xf32, #tpu.memory_space<hbm>> -> memref<16x1024xf32, #tpu.memory_space<hbm>>
    %dma_wait3A_651 = arith.constant 0 : i32
    %dma_wait3A_652 = tpu.memref_slice %arg4[%add3A_585, %dma_wait3A_651] : memref<16384x1024xf32, #tpu.memory_space<hbm>> -> memref<16x1024xf32, #tpu.memory_space<hbm>>
    tpu.wait_dma2 semaphore(%arg25 : memref<!tpu.dma_semaphore, #tpu.memory_space<semaphore_mem>>) src(%arg11 : memref<16x1024xf32, #tpu.memory_space<vmem>>) dst(%dma_wait3A_652 : memref<16x1024xf32, #tpu.memory_space<hbm>>)
    %dma_wait3A_653 = arith.constant 0 : i32
    %dma_wait3A_654 = tpu.memref_slice %arg4[%add3A_596, %dma_wait3A_653] : memref<16384x1024xf32, #tpu.memory_space<hbm>> -> memref<16x1024xf32, #tpu.memory_space<hbm>>
    %dma_wait3A_655 = arith.constant 0 : i32
    %dma_wait3A_656 = tpu.memref_slice %arg4[%add3A_596, %dma_wait3A_655] : memref<16384x1024xf32, #tpu.memory_space<hbm>> -> memref<16x1024xf32, #tpu.memory_space<hbm>>
    tpu.wait_dma2 semaphore(%arg26 : memref<!tpu.dma_semaphore, #tpu.memory_space<semaphore_mem>>) src(%arg12 : memref<16x1024xf32, #tpu.memory_space<vmem>>) dst(%dma_wait3A_656 : memref<16x1024xf32, #tpu.memory_space<hbm>>)
    %dma_wait3A_657 = arith.constant 0 : i32
    %dma_wait3A_658 = tpu.memref_slice %arg4[%add3A_607, %dma_wait3A_657] : memref<16384x1024xf32, #tpu.memory_space<hbm>> -> memref<16x1024xf32, #tpu.memory_space<hbm>>
    %dma_wait3A_659 = arith.constant 0 : i32
    %dma_wait3A_660 = tpu.memref_slice %arg4[%add3A_607, %dma_wait3A_659] : memref<16384x1024xf32, #tpu.memory_space<hbm>> -> memref<16x1024xf32, #tpu.memory_space<hbm>>
    tpu.wait_dma2 semaphore(%arg20 : memref<!tpu.dma_semaphore, #tpu.memory_space<semaphore_mem>>) src(%arg6 : memref<16x1024xf32, #tpu.memory_space<vmem>>) dst(%dma_wait3A_660 : memref<16x1024xf32, #tpu.memory_space<hbm>>)
    %dma_wait3A_661 = arith.constant 0 : i32
    %dma_wait3A_662 = tpu.memref_slice %arg4[%add3A_618, %dma_wait3A_661] : memref<16384x1024xf32, #tpu.memory_space<hbm>> -> memref<16x1024xf32, #tpu.memory_space<hbm>>
    %dma_wait3A_663 = arith.constant 0 : i32
    %dma_wait3A_664 = tpu.memref_slice %arg4[%add3A_618, %dma_wait3A_663] : memref<16384x1024xf32, #tpu.memory_space<hbm>> -> memref<16x1024xf32, #tpu.memory_space<hbm>>
    tpu.wait_dma2 semaphore(%arg21 : memref<!tpu.dma_semaphore, #tpu.memory_space<semaphore_mem>>) src(%arg7 : memref<16x1024xf32, #tpu.memory_space<vmem>>) dst(%dma_wait3A_664 : memref<16x1024xf32, #tpu.memory_space<hbm>>)
    %dma_wait3A_665 = arith.constant 0 : i32
    %dma_wait3A_666 = tpu.memref_slice %arg4[%add3A_629, %dma_wait3A_665] : memref<16384x1024xf32, #tpu.memory_space<hbm>> -> memref<16x1024xf32, #tpu.memory_space<hbm>>
    %dma_wait3A_667 = arith.constant 0 : i32
    %dma_wait3A_668 = tpu.memref_slice %arg4[%add3A_629, %dma_wait3A_667] : memref<16384x1024xf32, #tpu.memory_space<hbm>> -> memref<16x1024xf32, #tpu.memory_space<hbm>>
    tpu.wait_dma2 semaphore(%arg22 : memref<!tpu.dma_semaphore, #tpu.memory_space<semaphore_mem>>) src(%arg8 : memref<16x1024xf32, #tpu.memory_space<vmem>>) dst(%dma_wait3A_668 : memref<16x1024xf32, #tpu.memory_space<hbm>>)
    %dma_wait3A_669 = arith.constant 0 : i32
    %dma_wait3A_670 = tpu.memref_slice %arg4[%add3A_640, %dma_wait3A_669] : memref<16384x1024xf32, #tpu.memory_space<hbm>> -> memref<16x1024xf32, #tpu.memory_space<hbm>>
    %dma_wait3A_671 = arith.constant 0 : i32
    %dma_wait3A_672 = tpu.memref_slice %arg4[%add3A_640, %dma_wait3A_671] : memref<16384x1024xf32, #tpu.memory_space<hbm>> -> memref<16x1024xf32, #tpu.memory_space<hbm>>
    tpu.wait_dma2 semaphore(%arg23 : memref<!tpu.dma_semaphore, #tpu.memory_space<semaphore_mem>>) src(%arg9 : memref<16x1024xf32, #tpu.memory_space<vmem>>) dst(%dma_wait3A_672 : memref<16x1024xf32, #tpu.memory_space<hbm>>)
    return
  }
}

</mosaic_0001>

<sc_bundles>
// kernel: kernel.3.cloned.1.call-start
scs
__scs_entry_jumppad:
0x0: {  	(pc) =	sbr.rel $0x88, $3  }
0x1: {  	(tag) =	ssettag $0x0;
	lr =	simm.s32 $0x1  }
0x2: {  	[smem:$0x3F9F] =	sst lr;
	_ =	strace $0xD0000000  }
0x3: {  	_ = 	snop  }
0x4: {  	_ = 	snop  }
0x5: {  	_ = 	snop  }
0x6: {  	_ = 	snop  }
0x7: {  	_ = 	snop  }
__scs_overlays_trampoline_lowered:
0x8: {  	[smem:$0x3FAE] =	sst s0  }
0x9: {  	[smem:$0x3FAF] =	sst s1  }
0xa: {  	[smem:$0x3FB0] =	sst s2  }
0xb: {  	[smem:$0x3FB1] =	sst s3  }
0xc: {  	[smem:$0x3FB2] =	sst s4  }
0xd: {  	[smem:$0x3FB3] =	sst s5  }
0xe: {  	[smem:$0x3FB4] =	sst s6  }
0xf: {  	[smem:$0x3FB5] =	sst s7  }
0x10: {  	[smem:$0x3FB6] =	sst s8  }
0x11: {  	[smem:$0x3FB7] =	sst s9;
	s0 =	simm.s32 @!p0 $0x0  }
0x12: {  	s1 =	sld [smem:$0x3F9D];
	s0 =	simm.s32 @p0 $0x1  }
0x13: {  	[smem:$0x3FB8] =	sst s0;
	s0 =	simm.s32 @!p1 $0x0  }
0x14: {  	s2 =	sld [smem:$0x3F9C];
	s0 =	simm.s32 @p1 $0x1  }
0x15: {  	[smem:$0x3FB9] =	sst s0;
	s0 =	simm.s32 @!p2 $0x0  }
0x16: {  	s3 =	sld [smem:$0x3FDB];
	s0 =	simm.s32 @p2 $0x1  }
0x17: {  	s4 =	simm.s32 $0x1BF5;
	[smem:$0x3FBB] =	sst s0  }
0x18: {  	s0 =	sld [smem:$0x3F9E];
	_ =	swait.ge [sflag:s4], $0x0  }
0x19: {  	s7 =	sld [smem:$0x3F9F]  }
0x1a: {  	s8 =	sadd.s32 $0xFFFFE003, lr  }
0x1b: {  	s9 =	sadd.s32 $0xFFFFFEF7, lr;
	s5 =	simm.s32 $0xFFFFFFFF;
	p2 =	slt.u32 s8, $0xFFFFF086  }
0x1c: {  	p1 =	slt.u32 s9, $0xF7A;
	s5 =	simm.s32 @!p2 $0x0  }
0x1d: {  	s5 =	simm.s32 @p1 $0x1;
	p0 =	seq.s32 s7, s2  }
0x1e: {  	s7 =	smul.u32 @!p0 $0xF7A, s2;
	p2 =	seq.s32 @!p0 s5, $0x0  }
0x1f: {  	s9 =	smul.u32 $0xF7A, s1;
	s8 =	simm.s32 @!p0 $0x1BF5;
	p2 =	por !p2, p0  }
0x20: {  	[sflag:s8] =	ssyncset.s32 @!p0 $0xFFFFF086;
	s6 =	sadd.s32 @!p0 s3, s7;
	s7 =	simm.s32 @!p0 $0x108  }
0x21: {  	s3 =	sadd.s32 s3, s9;
	s6 =	sadd.s32 @!p0 $0x88, s6;
	s7 =	simm.s32 @p2 $0x1082  }
0x22: {  	[simem:s7], [sflag:s8] =	dma.local @!p0 [hbm:s6], $0xF7A  }
0x23: {  	s9 =	sor.u32 $0xD0000000, s2;
	s6 =	simm.s32 $0x108;
	_ =	swait.ge @!p0 [sflag:s8], $0x0  }
0x24: {  	s3 =	sadd.s32 $0x88, s3;
	s6 =	simm.s32 @!p1 $0x1082;
	[sflag:s4] =	ssyncset.s32 $0xFFFFF086  }
0x25: {  	[simem:s6], [sflag:s4] =	dma.local [hbm:s3], $0xF7A  }
0x26: {  	[smem:$0x3F9F] =	sst s1;
	(tag) =	ssettag s2;
	_ =	strace s9  }
0x27: {  	s1 =	sld [smem:$0x3FAF]  }
0x28: {  	s2 =	sld [smem:$0x3FB0]  }
0x29: {  	s4 =	sld [smem:$0x3FB2]  }
0x2a: {  	p0 =	seq.s32 s5, $0x0;
	s5 =	sld [smem:$0x3FB3]  }
0x2b: {  	s6 =	sld [smem:$0x3FB4]  }
0x2c: {  	s7 =	sld [smem:$0x3FB5]  }
0x2d: {  	s3 =	simm.s32 $0x108;
	s8 =	sld [smem:$0x3FB6]  }
0x2e: {  	s3 =	simm.s32 @!p0 $0x1082;
	s9 =	sld [smem:$0x3FB7]  }
0x2f: {  	lr =	sadd.s32 s0, s3;
	s0 =	sld [smem:$0x3FAE]  }
0x30: {  	s3 =	sld [smem:$0x3FB1]  }
0x31: {  	[smem:$0x3FBA] =	sst s10  }
0x32: {  	s10 =	sld [smem:$0x3FB8];
	_ =	sdelay $0x3  }
0x33: {  	p0 =	seq.s32 s10, $0x1;
	s10 =	sld [smem:$0x3FBA];
	_ =	sdelay $0x3  }
0x34: {  	[smem:$0x3FBA] =	sst s10  }
0x35: {  	s10 =	sld [smem:$0x3FB9];
	_ =	sdelay $0x3  }
0x36: {  	p1 =	seq.s32 s10, $0x1;
	s10 =	sld [smem:$0x3FBA];
	_ =	sdelay $0x3  }
0x37: {  	[smem:$0x3FBA] =	sst s10  }
0x38: {  	s10 =	sld [smem:$0x3FBB]  }
0x39: {  	_ = 	snop;
	(pc) =	sbr.ind lr, $3  }
0x3a: {  	_ = 	snop  }
0x3b: {  	_ = 	snop  }
0x3c: {  	p2 =	seq.s32 s10, $0x1;
	s10 =	sld [smem:$0x3FBA]  }
0x3d: {  	_ =	shalt  }
0x3e: {  	_ =	shalt  }
0x3f: {  	_ =	shalt  }
0x40: {  	_ =	shalt  }
0x41: {  	_ =	shalt  }
0x42: {  	_ =	shalt  }
0x43: {  	_ =	shalt  }
0x44: {  	_ =	shalt  }
0x45: {  	_ =	shalt  }
0x46: {  	_ =	shalt  }
0x47: {  	_ =	shalt  }
0x48: {  	_ =	shalt  }
0x49: {  	_ =	shalt  }
0x4a: {  	_ =	shalt  }
0x4b: {  	_ =	shalt  }
0x4c: {  	_ =	shalt  }
0x4d: {  	_ =	shalt  }
0x4e: {  	_ =	shalt  }
0x4f: {  	_ =	shalt  }
0x50: {  	_ =	shalt  }
0x51: {  	_ =	shalt  }
0x52: {  	_ =	shalt  }
0x53: {  	_ =	shalt  }
0x54: {  	_ =	shalt  }
0x55: {  	_ =	shalt  }
0x56: {  	_ =	shalt  }
0x57: {  	_ =	shalt  }
0x58: {  	_ =	shalt  }
0x59: {  	_ =	shalt  }
0x5a: {  	_ =	shalt  }
0x5b: {  	_ =	shalt  }
0x5c: {  	_ =	shalt  }
0x5d: {  	_ =	shalt  }
0x5e: {  	_ =	shalt  }
0x5f: {  	_ =	shalt  }
0x60: {  	_ =	shalt  }
0x61: {  	_ =	shalt  }
0x62: {  	_ =	shalt  }
0x63: {  	_ =	shalt  }
0x64: {  	_ =	shalt  }
0x65: {  	_ =	shalt  }
0x66: {  	_ =	shalt  }
0x67: {  	_ =	shalt  }
0x68: {  	_ =	shalt  }
0x69: {  	_ =	shalt  }
0x6a: {  	_ =	shalt  }
0x6b: {  	_ =	shalt  }
0x6c: {  	_ =	shalt  }
0x6d: {  	_ =	shalt  }
0x6e: {  	_ =	shalt  }
0x6f: {  	_ =	shalt  }
0x70: {  	_ =	shalt  }
0x71: {  	_ =	shalt  }
0x72: {  	_ =	shalt  }
0x73: {  	_ =	shalt  }
0x74: {  	_ =	shalt  }
0x75: {  	_ =	shalt  }
0x76: {  	_ =	shalt  }
0x77: {  	_ =	shalt  }
0x78: {  	_ =	shalt  }
0x79: {  	_ =	shalt  }
0x7a: {  	_ =	shalt  }
0x7b: {  	_ =	shalt  }
0x7c: {  	_ =	shalt  }
0x7d: {  	_ =	shalt  }
0x7e: {  	_ =	shalt  }
0x7f: {  	_ =	shalt  }
0x80: {  	_ =	shalt  }
0x81: {  	_ =	shalt  }
0x82: {  	_ =	shalt  }
0x83: {  	_ =	shalt  }
0x84: {  	_ =	shalt  }
0x85: {  	_ =	shalt  }
0x86: {  	_ =	shalt  }
0x87: {  	_ =	shalt  }
.Lfunc_end0:
.L_simem_size_0:
called_computation_lowered:
.L_overlay_start_0:
0x88: {  	s2 =	sld [smem:$0x3FD9]  }
0x89: {  	s3 =	sld [smem:$0x3FFE];
	_ =	sdelay $0x1  }
0x8a: {  	s1 =	srdreg.scid  }
0x8b: {  	s0 =	sand.u32 $0x1, s1  }
0x8c: {  	s18 =	sshll.u32 s0, $0xA;
	s2 =	sadd.s32 s3, s2  }
0x8d: {  	s2 =	sadd.s32 s2, s18  }
0x8e: {  	[smem:$0x3FC6] =	sst s2  }
0x8f: {  	_ = 	snop  }
0x90: {  	s2 =	sld [smem:$0x3FC9]  }
0x91: {  	s19 =	sld [smem:$0x3FC8]  }
0x92: {  	s4 =	sld [smem:$0x3FD0];
	(tm) =	ssettm $0x1  }
0x93: {  	s5 =	sld [smem:$0x3FFB];
	_ =	sdelay $0x3  }
0x94: {  	_ =	strace s5  }
0x95: {  	s5 =	sld [smem:$0x3FFC];
	_ =	sdelay $0x3  }
0x96: {  	_ =	strace s5  }
0x97: {  	s5 =	sld [smem:$0x3FFD];
	_ =	sdelay $0x3  }
0x98: {  	_ =	strace s5  }
0x99: {  	_ =	strace $0x8FFFFFFF  }
0x9a: {  	s20 =	sld [smem:$0x3FDB];
	_ =	sdelay $0x1  }
0x9b: {  	s6 =	simm.s32 $_scs_section_size  }
0x9c: {  	s7 =	simm.s32 $_size__tile_overlayer_lowered;
	s8 =	simm.s32 $_tile_overlayer_lowered  }
0x9d: {  	s23 =	simm.s32 $0x1BFF;
	s22 =	sshll.u32 s8, $0x1;
	s5 =	sadd.s32 s6, s20  }
0x9e: {  	s9 =	simm.s32 $0x0;
	s21 =	sshll.u32 s7, $0x1;
	s7 =	sadd.s32 s22, s5  }
0x9f: {  	[timem:s9], [sflag:s23] =	dma.local [hbm:s7], s21  }
0xa0: {  	_ =	swait.ge [sflag:s23], s21  }
0xa1: {  	s6 =	ssub.s32 $0x0, s21;
	[sflag:s23] =	ssyncset.done $0x0  }
0xa2: {  	[sflag:s23] =	ssyncadd.s32 s6;
	_ =	sdelay $0x1  }
0xa3: {  	s24 =	simm.s32 $0x1B8B  }
0xa4: {  	_ =	swait.ge [sflag:s24], $0x1  }
0xa5: {  	[sflag:s24] =	ssyncset.done $0x0  }
0xa6: {  	s25 =	simm.s32 $0x1B8E;
	[sflag:s24] =	ssyncadd.s32 $0xFFFFFFFF  }
0xa7: {  	s26 =	simm.s32 $execute0_lowered;
	[smem:$0x3FD2] =	sst s25  }
0xa8: {  	s6 =	sshll.u32 s26, $0x1;
	_ =	strace $0x80000046;
	[dreg:$0x1] =	wrdreg $0xFFFFFFFF  }
0xa9: {  	s28 =	simm.s32 $_size_execute0_lowered;
	s5 =	sadd.s32 s5, s6;
	[dreg:$0x0] =	wrdreg $0x0  }
0xaa: {  	s6 =	sshll.u32 s28, $0x1;
	[dreg:$0x2] =	wrdreg s5  }
0xab: {  	[dreg:$0x3] =	wrdreg s6  }
0xac: {  	[dreg:$0x4] =	wrdreg $0xC0  }
0xad: {  	_ =	task [dreg:s9], $0x5FFFF  }
0xae: {  	[dreg:$0x1] =	wrdreg $0xFFFFFFFF  }
0xaf: {  	[dreg:$0x0] =	wrdreg $0x60  }
0xb0: {  	[dreg:$0x2] =	wrdreg s19  }
0xb1: {  	[dreg:$0x3] =	wrdreg s2  }
0xb2: {  	[dreg:$0x4] =	wrdreg s4  }
0xb3: {  	[dreg:$0x5] =	wrdreg $0x9  }
0xb4: {  	_ =	task.clear_ibuf [dreg:s9], $0x6FFFF;
	_ =	strace $0x90000046  }
0xb5: {  	s29 =	simm.s32 $0x9;
	_ =	strace $0x80000048  }
0xb6: {  	_ =	swait.ge [sflag:s29], $0x1  }
0xb7: {  	[sflag:s29] =	ssyncadd.s32 $0xFFFFFFFF  }
0xb8: {  	_ =	strace $0x90000048  }
0xb9: {  	_ =	sfence  }
0xba: {  	s30 =	sld [smem:$0x0];
	_ =	sdelay $0x2  }
0xbb: {  	s31 =	sshll.u32 s1, $0xD;
	s1 =	sshrl.u32 s1, $0x2  }
0xbc: {  	s3 =	sand.u32 $0x4000, s31;
	s1 =	sadd.s32 s1, s30  }
0xbd: {  	s0 =	sor.u32 s3, s0;
	s1 =	sshll.u32 s1, $0x11  }
0xbe: {  	s0 =	sor.u32 s1, s0  }
0xbf: {  	s0 =	sadd.s32 $0x8F2B, s0  }
0xc0: {  	[sflag:s0] =	ssyncadd.remote.s32 $0x1  }
0xc1: {  	_ =	sfence.sel $0xFFFF  }
0xc2: {  	[dreg:$0x0] =	wrdreg $0xFFFFFFFF;
	(pc) =	sbr.abs _section_cstart, $3  }
0xc3: {  	[dreg:$0x1] =	wrdreg $0xFFFFFFFF  }
0xc4: {  	_ =	task.clear_ibuf [dreg:s9], $0x2FFFF;
	_ =	strace $0x9FFFFFFF  }
0xc5: {  	(tm) =	ssettm $0x7FFFFFFF  }
tec
execute0_lowered:
.L_overlay_start_1:
0x0: {  	(tag) =	ssettag $0x1  }
0x1: {  	s2 =	rddreg [dreg:$0x0]  }
0x2: {  	s1 =	rddreg [dreg:$0x1]  }
0x3: {  	s4 =	rddreg [dreg:$0x2]  }
0x4: {  	s0 =	srdreg.scid;
	s6 =	stileid.u32  }
0x5: {  	s3 =	simm.s32 $0x0;
	s0 =	sand.u32 $0x1, s0;
	s5 =	sshll.u32 s6, $0x1  }
0x6: {  	s6 =	sshll.u32 s6, $0x2;
	[smem:$0x7FF] =	sst s3;
	s5 =	sor.u32 s0, s5  }
0x7: {  	s6 =	sand.u32 $0x30, s6;
	s7 =	sshll.u32 s5, $0x8;
	s5 =	sshll.u32 s5, $0x10  }
0x8: {  	s1 =	sadd.s32 s1, s6;
	s7 =	sand.u32 $0x700, s7;
	s8 =	sadd.s32 s4, s5  }
0x9: {  	_ =	strace $0x80000047;
	s1 =	sadd.s32 s7, s1;
	[smem:$0x7FB] =	sst s8  }
0xa: {  	s16 =	sadd.s32 $0x800, s8;
	[dreg:$0x4] =	wrdreg s1  }
0xb: {  	s17 =	sadd.s32 $0x1000, s8;
	[dreg:$0x5] =	wrdreg s16  }
0xc: {  	s18 =	sadd.s32 $0x1800, s8;
	[dreg:$0x6] =	wrdreg s17  }
0xd: {  	s19 =	sadd.s32 $0x2000, s8;
	[dreg:$0x7] =	wrdreg s18  }
0xe: {  	s20 =	sadd.s32 $0x2800, s8;
	[dreg:$0x8] =	wrdreg s19  }
0xf: {  	s21 =	sadd.s32 $0x3000, s8;
	[dreg:$0x9] =	wrdreg s20  }
0x10: {  	s22 =	sadd.s32 $0x3800, s8;
	[dreg:$0xa] =	wrdreg s21  }
0x11: {  	s23 =	sadd.s32 $0x4000, s8;
	[dreg:$0xb] =	wrdreg s22  }
0x12: {  	s24 =	sadd.s32 $0x4800, s8;
	[dreg:$0xc] =	wrdreg s23  }
0x13: {  	s25 =	sadd.s32 $0x5000, s8;
	[dreg:$0xd] =	wrdreg s24  }
0x14: {  	s26 =	sadd.s32 $0x5800, s8;
	[dreg:$0xe] =	wrdreg s25  }
0x15: {  	s4 =	sadd.s32 $0x6000, s8;
	[dreg:$0xf] =	wrdreg s26  }
0x16: {  	s5 =	sadd.s32 $0x6800, s8;
	[dreg:$0x10] =	wrdreg s4  }
0x17: {  	s6 =	sadd.s32 $0x7000, s8;
	[dreg:$0x11] =	wrdreg s5  }
0x18: {  	s7 =	sadd.s32 $0x7800, s8;
	[dreg:$0x12] =	wrdreg s6  }
0x19: {  	s9 =	sadd.s32 $0x8000, s8;
	[dreg:$0x13] =	wrdreg s7  }
0x1a: {  	s10 =	sadd.s32 $0x8800, s8;
	[dreg:$0x14] =	wrdreg s9  }
0x1b: {  	s11 =	sadd.s32 $0x9000, s8;
	[dreg:$0x15] =	wrdreg s10  }
0x1c: {  	s12 =	sadd.s32 $0x9800, s8;
	[dreg:$0x16] =	wrdreg s11  }
0x1d: {  	s28 =	simm.s32 $0x9;
	s13 =	sadd.s32 $0xA000, s8;
	[dreg:$0x17] =	wrdreg s12  }
0x1e: {  	s29 =	simm.s32 $0x4;
	s14 =	sadd.s32 $0xA800, s8;
	[dreg:$0x18] =	wrdreg s13  }
0x1f: {  	s30 =	simm.s32 $0xA;
	s15 =	sadd.s32 $0xB000, s8;
	[dreg:$0x19] =	wrdreg s14  }
0x20: {  	s31 =	simm.s32 $0x200;
	s0 =	ssub.s32 $0x2, s0;
	[dreg:$0x1a] =	wrdreg s15  }
0x21: {  	s16 =	sadd.s32 $0xB800, s8;
	s17 =	sadd.s32 $0xC000, s8;
	s18 =	sadd.s32 $0xC800, s8  }
0x22: {  	s19 =	sadd.s32 $0xD000, s8;
	s20 =	sshrl.u32 s0, $0x1;
	[dreg:$0x1b] =	wrdreg s16  }
0x23: {  	s21 =	sadd.s32 $0xD800, s8;
	s22 =	sadd.s32 $0xE000, s8;
	[dreg:$0x1c] =	wrdreg s17  }
0x24: {  	s5 =	sadd.s32 $0x100, s2;
	s23 =	sadd.s32 $0xE800, s8;
	[dreg:$0x1d] =	wrdreg s18  }
0x25: {  	s6 =	sadd.s32 $0x200, s2;
	s24 =	sadd.s32 $0xF000, s8;
	[dreg:$0x1e] =	wrdreg s19  }
0x26: {  	s7 =	sadd.s32 $0x300, s2;
	s25 =	sadd.s32 $0xF800, s8;
	[dreg:$0x1f] =	wrdreg s21  }
0x27: {  	s26 =	simm.s32 $0x80;
	s1 =	simm.s32 $0x6;
	[smem:$0x7F8] =	sst s22  }
0x28: {  	s10 =	simm.s32 $0xC;
	s11 =	simm.s32 $0x7;
	[smem:$0x7F9] =	sst s23  }
0x29: {  	s12 =	simm.s32 $0xD;
	s13 =	simm.s32 $0xE;
	[smem:$0x7FA] =	sst s24  }
0x2a: {  	s9 =	simm.s32 $0xC200;
	s0 =	ssub.s32 s0, s20;
	[smem:$0x7FC] =	sst s25  }
0x2b: {  	[smem:$0x7FD] =	sst s26;
	s21 =	simm.s32 $0x1;
	s23 =	simm.s32 $0x2  }
0x2c: {  	v2 =	vlaneseq.u32;
	s24 =	simm.s32 $0x8;
	s25 =	simm.s32 $0x3;
	s17 =	simm.s32 $0x5  }
0x2d: {  	vm0 =	vmmov $0xffff;
	v1 =	vshrl.u32 v2, $0x3;
	s26 =	simm.s32 $0x4200;
	s20 =	simm.s32 $0x10200;
	s22 =	simm.s32 $0x14200  }
0x2e: {  	v0 =	vand.u32 $0x7, v2;
	v2 =	vor.u32 $0x8, v2;
	v1 =	vmul.u32 $0x8, v1;
	s18 =	simm.s32 $0x18200;
	s8 =	smax.u32 s0, $0x1;
	s0 =	simm.s32 $0xB  }
.LBB2_1:
0x2f: {  	s15 =	sld [smem:$0x7FD];
	_ =	sdelay $0x1  }
0x30: {  	s14 =	rddreg [dreg:$0x4];
	s4 =	simm.s32 $0xF  }
0x31: {  	[tilespmem:s3], [sflag:$0xF] =	stream.strided.gather [hbm4b:s14+s15], $0x200, s31, s15, $0x38;
	[tilespmem:$0x1C200] =	vst v63  }
0x32: {  	_ =	swait.ge [sflag:s4], $0x200  }
0x33: {  	[sflag:s4] =	ssyncset.done $0x0  }
0x34: {  	[sflag:s4] =	ssyncadd.s32 $0xFFFFFE00  }
0x35: {  	v3 =	vld [tilespmem:$0x0];
	_ =	sdelay $0x4  }
0x36: {  	v4 =	vshll.u32 v3, $0x3  }
0x37: {  	v3 =	vand.u32 $0x7, v3;
	v4 =	vand.u32 $0xFFFFFFC0, v4  }
0x38: {  	v3 =	vor.u32 v3, v4  }
0x39: {  	v4 =	vperm.xlane v3, v0;
	_ =	sdelay $0x1  }
0x3a: {  	v4 =	vadd.s32 v1, v4;
	_ =	sdelay $0x4  }
0x3b: {  	[tilespmem:s31], [sflag:$0x1] =	stream.indirect_vreg.gather [hbm4b:s2+s3], $0x80, v4, vm0, $0xb8;
	[tilespmem:$0x1C200] =	vst v63  }
0x3c: {  	s4 =	simm.s32 $0xA00;
	v3 =	vperm.xlane v3, v2  }
0x3d: {  	[tilespmem:s4], [sflag:$0x1] =	stream.indirect_vreg.gather [hbm4b:s5+s3], $0x80, v4, vm0, $0xb8;
	[tilespmem:$0x1C200] =	vst v63  }
0x3e: {  	s14 =	simm.s32 $0x1200;
	v3 =	vadd.s32 v1, v3  }
0x3f: {  	[tilespmem:s14], [sflag:$0x1] =	stream.indirect_vreg.gather [hbm4b:s6+s3], $0x80, v4, vm0, $0xb8;
	[tilespmem:$0x1C200] =	vst v63  }
0x40: {  	s16 =	simm.s32 $0x1A00  }
0x41: {  	[tilespmem:s16], [sflag:$0x1] =	stream.indirect_vreg.gather [hbm4b:s7+s3], $0x80, v4, vm0, $0xb8;
	[tilespmem:$0x1C200] =	vst v63  }
0x42: {  	s14 =	simm.s32 $0x2200  }
0x43: {  	[tilespmem:s14], [sflag:$0x1] =	stream.indirect_vreg.gather [hbm4b:s2+s3], $0x80, v3, vm0, $0xb8;
	[tilespmem:$0x1C200] =	vst v63  }
0x44: {  	s16 =	simm.s32 $0x2A00  }
0x45: {  	[tilespmem:s16], [sflag:$0x1] =	stream.indirect_vreg.gather [hbm4b:s5+s3], $0x80, v3, vm0, $0xb8;
	[tilespmem:$0x1C200] =	vst v63  }
0x46: {  	s14 =	simm.s32 $0x3200  }
0x47: {  	[tilespmem:s14], [sflag:$0x1] =	stream.indirect_vreg.gather [hbm4b:s6+s3], $0x80, v3, vm0, $0xb8;
	[tilespmem:$0x1C200] =	vst v63  }
0x48: {  	s16 =	simm.s32 $0x3A00  }
0x49: {  	[tilespmem:s16], [sflag:$0x1] =	stream.indirect_vreg.gather [hbm4b:s7+s3], $0x80, v3, vm0, $0xb8;
	[tilespmem:$0x1C200] =	vst v63  }
0x4a: {  	v3 =	vld [tilespmem:$0x10];
	_ =	sdelay $0x4  }
0x4b: {  	v33 =	vshll.u32 v3, $0x3  }
0x4c: {  	v3 =	vand.u32 $0x7, v3;
	v4 =	vand.u32 $0xFFFFFFC0, v33  }
0x4d: {  	v3 =	vor.u32 v3, v4  }
0x4e: {  	v4 =	vperm.xlane v3, v0;
	_ =	sdelay $0x1  }
0x4f: {  	v4 =	vadd.s32 v1, v4;
	_ =	sdelay $0x4  }
0x50: {  	[tilespmem:s26], [sflag:$0x2] =	stream.indirect_vreg.gather [hbm4b:s2+s3], $0x80, v4, vm0, $0xb8;
	[tilespmem:$0x1C200] =	vst v63  }
0x51: {  	s14 =	simm.s32 $0x4A00;
	v3 =	vperm.xlane v3, v2  }
0x52: {  	[tilespmem:s14], [sflag:$0x2] =	stream.indirect_vreg.gather [hbm4b:s5+s3], $0x80, v4, vm0, $0xb8;
	[tilespmem:$0x1C200] =	vst v63  }
0x53: {  	v3 =	vadd.s32 v1, v3;
	s14 =	simm.s32 $0x5200  }
0x54: {  	[tilespmem:s14], [sflag:$0x2] =	stream.indirect_vreg.gather [hbm4b:s6+s3], $0x80, v4, vm0, $0xb8;
	[tilespmem:$0x1C200] =	vst v63  }
0x55: {  	s14 =	simm.s32 $0x5A00  }
0x56: {  	[tilespmem:s14], [sflag:$0x2] =	stream.indirect_vreg.gather [hbm4b:s7+s3], $0x80, v4, vm0, $0xb8;
	[tilespmem:$0x1C200] =	vst v63  }
0x57: {  	s14 =	simm.s32 $0x6200  }
0x58: {  	[tilespmem:s14], [sflag:$0x2] =	stream.indirect_vreg.gather [hbm4b:s2+s3], $0x80, v3, vm0, $0xb8;
	[tilespmem:$0x1C200] =	vst v63  }
0x59: {  	s14 =	simm.s32 $0x6A00  }
0x5a: {  	[tilespmem:s14], [sflag:$0x2] =	stream.indirect_vreg.gather [hbm4b:s5+s3], $0x80, v3, vm0, $0xb8;
	[tilespmem:$0x1C200] =	vst v63  }
0x5b: {  	s14 =	simm.s32 $0x7200  }
0x5c: {  	[tilespmem:s14], [sflag:$0x2] =	stream.indirect_vreg.gather [hbm4b:s6+s3], $0x80, v3, vm0, $0xb8;
	[tilespmem:$0x1C200] =	vst v63  }
0x5d: {  	s14 =	simm.s32 $0x7A00  }
0x5e: {  	[tilespmem:s14], [sflag:$0x2] =	stream.indirect_vreg.gather [hbm4b:s7+s3], $0x80, v3, vm0, $0xb8;
	[tilespmem:$0x1C200] =	vst v63  }
0x5f: {  	v3 =	vld [tilespmem:$0x20];
	_ =	sdelay $0x4  }
0x60: {  	v34 =	vshll.u32 v3, $0x3  }
0x61: {  	v3 =	vand.u32 $0x7, v3;
	v4 =	vand.u32 $0xFFFFFFC0, v34  }
0x62: {  	v3 =	vor.u32 v3, v4  }
0x63: {  	v4 =	vperm.xlane v3, v0;
	_ =	sdelay $0x1  }
0x64: {  	v4 =	vadd.s32 v1, v4;
	_ =	sdelay $0x3  }
0x65: {  	s4 =	simm.s32 $0x8200  }
0x66: {  	[tilespmem:s4], [sflag:$0x3] =	stream.indirect_vreg.gather [hbm4b:s2+s3], $0x80, v4, vm0, $0xb8;
	[tilespmem:$0x1C200] =	vst v63  }
0x67: {  	s14 =	simm.s32 $0x8A00;
	v3 =	vperm.xlane v3, v2  }
0x68: {  	[tilespmem:s14], [sflag:$0x3] =	stream.indirect_vreg.gather [hbm4b:s5+s3], $0x80, v4, vm0, $0xb8;
	[tilespmem:$0x1C200] =	vst v63  }
0x69: {  	v3 =	vadd.s32 v1, v3;
	s14 =	simm.s32 $0x9200  }
0x6a: {  	[tilespmem:s14], [sflag:$0x3] =	stream.indirect_vreg.gather [hbm4b:s6+s3], $0x80, v4, vm0, $0xb8;
	[tilespmem:$0x1C200] =	vst v63  }
0x6b: {  	s14 =	simm.s32 $0x9A00  }
0x6c: {  	[tilespmem:s14], [sflag:$0x3] =	stream.indirect_vreg.gather [hbm4b:s7+s3], $0x80, v4, vm0, $0xb8;
	[tilespmem:$0x1C200] =	vst v63  }
0x6d: {  	s14 =	simm.s32 $0xA200  }
0x6e: {  	[tilespmem:s14], [sflag:$0x3] =	stream.indirect_vreg.gather [hbm4b:s2+s3], $0x80, v3, vm0, $0xb8;
	[tilespmem:$0x1C200] =	vst v63  }
0x6f: {  	s14 =	simm.s32 $0xAA00  }
0x70: {  	[tilespmem:s14], [sflag:$0x3] =	stream.indirect_vreg.gather [hbm4b:s5+s3], $0x80, v3, vm0, $0xb8;
	[tilespmem:$0x1C200] =	vst v63  }
0x71: {  	s14 =	simm.s32 $0xB200  }
0x72: {  	[tilespmem:s14], [sflag:$0x3] =	stream.indirect_vreg.gather [hbm4b:s6+s3], $0x80, v3, vm0, $0xb8;
	[tilespmem:$0x1C200] =	vst v63  }
0x73: {  	s14 =	simm.s32 $0xBA00  }
0x74: {  	[tilespmem:s14], [sflag:$0x3] =	stream.indirect_vreg.gather [hbm4b:s7+s3], $0x80, v3, vm0, $0xb8;
	[tilespmem:$0x1C200] =	vst v63  }
0x75: {  	v3 =	vld [tilespmem:$0x30];
	_ =	sdelay $0x4  }
0x76: {  	v35 =	vshll.u32 v3, $0x3  }
0x77: {  	v3 =	vand.u32 $0x7, v3;
	v4 =	vand.u32 $0xFFFFFFC0, v35  }
0x78: {  	v3 =	vor.u32 v3, v4  }
0x79: {  	v4 =	vperm.xlane v3, v0;
	_ =	sdelay $0x1  }
0x7a: {  	v4 =	vadd.s32 v1, v4;
	_ =	sdelay $0x4  }
0x7b: {  	[tilespmem:s9], [sflag:$0x4] =	stream.indirect_vreg.gather [hbm4b:s2+s3], $0x80, v4, vm0, $0xb8;
	[tilespmem:$0x1C200] =	vst v63  }
0x7c: {  	s14 =	simm.s32 $0xCA00;
	v3 =	vperm.xlane v3, v2  }
0x7d: {  	[tilespmem:s14], [sflag:$0x4] =	stream.indirect_vreg.gather [hbm4b:s5+s3], $0x80, v4, vm0, $0xb8;
	[tilespmem:$0x1C200] =	vst v63  }
0x7e: {  	v3 =	vadd.s32 v1, v3;
	s14 =	simm.s32 $0xD200  }
0x7f: {  	[tilespmem:s14], [sflag:$0x4] =	stream.indirect_vreg.gather [hbm4b:s6+s3], $0x80, v4, vm0, $0xb8;
	[tilespmem:$0x1C200] =	vst v63  }
0x80: {  	s14 =	simm.s32 $0xDA00  }
0x81: {  	[tilespmem:s14], [sflag:$0x4] =	stream.indirect_vreg.gather [hbm4b:s7+s3], $0x80, v4, vm0, $0xb8;
	[tilespmem:$0x1C200] =	vst v63  }
0x82: {  	s14 =	simm.s32 $0xE200  }
0x83: {  	[tilespmem:s14], [sflag:$0x4] =	stream.indirect_vreg.gather [hbm4b:s2+s3], $0x80, v3, vm0, $0xb8;
	[tilespmem:$0x1C200] =	vst v63  }
0x84: {  	s14 =	simm.s32 $0xEA00  }
0x85: {  	[tilespmem:s14], [sflag:$0x4] =	stream.indirect_vreg.gather [hbm4b:s5+s3], $0x80, v3, vm0, $0xb8;
	[tilespmem:$0x1C200] =	vst v63  }
0x86: {  	s14 =	simm.s32 $0xF200  }
0x87: {  	[tilespmem:s14], [sflag:$0x4] =	stream.indirect_vreg.gather [hbm4b:s6+s3], $0x80, v3, vm0, $0xb8;
	[tilespmem:$0x1C200] =	vst v63  }
0x88: {  	s14 =	simm.s32 $0xFA00  }
0x89: {  	[tilespmem:s14], [sflag:$0x4] =	stream.indirect_vreg.gather [hbm4b:s7+s3], $0x80, v3, vm0, $0xb8;
	[tilespmem:$0x1C200] =	vst v63  }
0x8a: {  	v3 =	vld [tilespmem:$0x40];
	_ =	sdelay $0x4  }
0x8b: {  	v36 =	vshll.u32 v3, $0x3  }
0x8c: {  	v3 =	vand.u32 $0x7, v3;
	v4 =	vand.u32 $0xFFFFFFC0, v36  }
0x8d: {  	v3 =	vor.u32 v3, v4  }
0x8e: {  	v4 =	vperm.xlane v3, v0;
	_ =	sdelay $0x1  }
0x8f: {  	v4 =	vadd.s32 v1, v4;
	_ =	sdelay $0x4  }
0x90: {  	[tilespmem:s20], [sflag:$0x5] =	stream.indirect_vreg.gather [hbm4b:s2+s3], $0x80, v4, vm0, $0xb8;
	[tilespmem:$0x1C200] =	vst v63  }
0x91: {  	s14 =	simm.s32 $0x10A00;
	v3 =	vperm.xlane v3, v2  }
0x92: {  	[tilespmem:s14], [sflag:$0x5] =	stream.indirect_vreg.gather [hbm4b:s5+s3], $0x80, v4, vm0, $0xb8;
	[tilespmem:$0x1C200] =	vst v63  }
0x93: {  	v3 =	vadd.s32 v1, v3;
	s14 =	simm.s32 $0x11200  }
0x94: {  	[tilespmem:s14], [sflag:$0x5] =	stream.indirect_vreg.gather [hbm4b:s6+s3], $0x80, v4, vm0, $0xb8;
	[tilespmem:$0x1C200] =	vst v63  }
0x95: {  	s14 =	simm.s32 $0x11A00  }
0x96: {  	[tilespmem:s14], [sflag:$0x5] =	stream.indirect_vreg.gather [hbm4b:s7+s3], $0x80, v4, vm0, $0xb8;
	[tilespmem:$0x1C200] =	vst v63  }
0x97: {  	s14 =	simm.s32 $0x12200  }
0x98: {  	[tilespmem:s14], [sflag:$0x5] =	stream.indirect_vreg.gather [hbm4b:s2+s3], $0x80, v3, vm0, $0xb8;
	[tilespmem:$0x1C200] =	vst v63  }
0x99: {  	s14 =	simm.s32 $0x12A00  }
0x9a: {  	[tilespmem:s14], [sflag:$0x5] =	stream.indirect_vreg.gather [hbm4b:s5+s3], $0x80, v3, vm0, $0xb8;
	[tilespmem:$0x1C200] =	vst v63  }
0x9b: {  	s14 =	simm.s32 $0x13200  }
0x9c: {  	[tilespmem:s14], [sflag:$0x5] =	stream.indirect_vreg.gather [hbm4b:s6+s3], $0x80, v3, vm0, $0xb8;
	[tilespmem:$0x1C200] =	vst v63  }
0x9d: {  	s14 =	simm.s32 $0x13A00  }
0x9e: {  	[tilespmem:s14], [sflag:$0x5] =	stream.indirect_vreg.gather [hbm4b:s7+s3], $0x80, v3, vm0, $0xb8;
	[tilespmem:$0x1C200] =	vst v63  }
0x9f: {  	v3 =	vld [tilespmem:$0x50];
	_ =	sdelay $0x4  }
0xa0: {  	v37 =	vshll.u32 v3, $0x3  }
0xa1: {  	v3 =	vand.u32 $0x7, v3;
	v4 =	vand.u32 $0xFFFFFFC0, v37  }
0xa2: {  	v3 =	vor.u32 v3, v4  }
0xa3: {  	v4 =	vperm.xlane v3, v0;
	_ =	sdelay $0x1  }
0xa4: {  	v4 =	vadd.s32 v1, v4;
	_ =	sdelay $0x4  }
0xa5: {  	[tilespmem:s22], [sflag:$0x6] =	stream.indirect_vreg.gather [hbm4b:s2+s3], $0x80, v4, vm0, $0xb8;
	[tilespmem:$0x1C200] =	vst v63  }
0xa6: {  	s14 =	simm.s32 $0x14A00;
	v3 =	vperm.xlane v3, v2  }
0xa7: {  	[tilespmem:s14], [sflag:$0x6] =	stream.indirect_vreg.gather [hbm4b:s5+s3], $0x80, v4, vm0, $0xb8;
	[tilespmem:$0x1C200] =	vst v63  }
0xa8: {  	v3 =	vadd.s32 v1, v3;
	s14 =	simm.s32 $0x15200  }
0xa9: {  	[tilespmem:s14], [sflag:$0x6] =	stream.indirect_vreg.gather [hbm4b:s6+s3], $0x80, v4, vm0, $0xb8;
	[tilespmem:$0x1C200] =	vst v63  }
0xaa: {  	s14 =	simm.s32 $0x15A00  }
0xab: {  	[tilespmem:s14], [sflag:$0x6] =	stream.indirect_vreg.gather [hbm4b:s7+s3], $0x80, v4, vm0, $0xb8;
	[tilespmem:$0x1C200] =	vst v63  }
0xac: {  	s14 =	simm.s32 $0x16200  }
0xad: {  	[tilespmem:s14], [sflag:$0x6] =	stream.indirect_vreg.gather [hbm4b:s2+s3], $0x80, v3, vm0, $0xb8;
	[tilespmem:$0x1C200] =	vst v63  }
0xae: {  	s14 =	simm.s32 $0x16A00  }
0xaf: {  	[tilespmem:s14], [sflag:$0x6] =	stream.indirect_vreg.gather [hbm4b:s5+s3], $0x80, v3, vm0, $0xb8;
	[tilespmem:$0x1C200] =	vst v63  }
0xb0: {  	s14 =	simm.s32 $0x17200  }
0xb1: {  	[tilespmem:s14], [sflag:$0x6] =	stream.indirect_vreg.gather [hbm4b:s6+s3], $0x80, v3, vm0, $0xb8;
	[tilespmem:$0x1C200] =	vst v63  }
0xb2: {  	s14 =	simm.s32 $0x17A00  }
0xb3: {  	[tilespmem:s14], [sflag:$0x6] =	stream.indirect_vreg.gather [hbm4b:s7+s3], $0x80, v3, vm0, $0xb8;
	[tilespmem:$0x1C200] =	vst v63  }
0xb4: {  	_ =	swait.ge [sflag:s21], $0x4000  }
0xb5: {  	s14 =	sld [smem:$0x7FB]  }
0xb6: {  	[sflag:s21] =	ssyncset.done $0x0  }
0xb7: {  	[sflag:s21] =	ssyncadd.s32 $0xFFFFC000  }
0xb8: {  	[hbm4b:s14+s3] =	stream.linear.scatter [tilespmem:s31], [sflag:$0x8], $0x4000, $0x38;
	[tilespmem:$0x1C200] =	vst v63  }
0xb9: {  	v3 =	vld [tilespmem:$0x60];
	_ =	sdelay $0x4  }
0xba: {  	v38 =	vshll.u32 v3, $0x3  }
0xbb: {  	v3 =	vand.u32 $0x7, v3;
	v4 =	vand.u32 $0xFFFFFFC0, v38  }
0xbc: {  	v3 =	vor.u32 v3, v4  }
0xbd: {  	v4 =	vperm.xlane v3, v0;
	_ =	sdelay $0x1  }
0xbe: {  	v4 =	vadd.s32 v1, v4;
	_ =	sdelay $0x4  }
0xbf: {  	[tilespmem:s18], [sflag:$0x7] =	stream.indirect_vreg.gather [hbm4b:s2+s3], $0x80, v4, vm0, $0xb8;
	[tilespmem:$0x1C200] =	vst v63  }
0xc0: {  	s14 =	simm.s32 $0x18A00;
	v3 =	vperm.xlane v3, v2  }
0xc1: {  	[tilespmem:s14], [sflag:$0x7] =	stream.indirect_vreg.gather [hbm4b:s5+s3], $0x80, v4, vm0, $0xb8;
	[tilespmem:$0x1C200] =	vst v63  }
0xc2: {  	v3 =	vadd.s32 v1, v3;
	s14 =	simm.s32 $0x19200  }
0xc3: {  	[tilespmem:s14], [sflag:$0x7] =	stream.indirect_vreg.gather [hbm4b:s6+s3], $0x80, v4, vm0, $0xb8;
	[tilespmem:$0x1C200] =	vst v63  }
0xc4: {  	s14 =	simm.s32 $0x19A00  }
0xc5: {  	[tilespmem:s14], [sflag:$0x7] =	stream.indirect_vreg.gather [hbm4b:s7+s3], $0x80, v4, vm0, $0xb8;
	[tilespmem:$0x1C200] =	vst v63  }
0xc6: {  	s14 =	simm.s32 $0x1A200  }
0xc7: {  	[tilespmem:s14], [sflag:$0x7] =	stream.indirect_vreg.gather [hbm4b:s2+s3], $0x80, v3, vm0, $0xb8;
	[tilespmem:$0x1C200] =	vst v63  }
0xc8: {  	s14 =	simm.s32 $0x1AA00  }
0xc9: {  	[tilespmem:s14], [sflag:$0x7] =	stream.indirect_vreg.gather [hbm4b:s5+s3], $0x80, v3, vm0, $0xb8;
	[tilespmem:$0x1C200] =	vst v63  }
0xca: {  	s14 =	simm.s32 $0x1B200  }
0xcb: {  	[tilespmem:s14], [sflag:$0x7] =	stream.indirect_vreg.gather [hbm4b:s6+s3], $0x80, v3, vm0, $0xb8;
	[tilespmem:$0x1C200] =	vst v63  }
0xcc: {  	s14 =	simm.s32 $0x1BA00  }
0xcd: {  	[tilespmem:s14], [sflag:$0x7] =	stream.indirect_vreg.gather [hbm4b:s7+s3], $0x80, v3, vm0, $0xb8;
	[tilespmem:$0x1C200] =	vst v63  }
0xce: {  	_ =	swait.ge [sflag:s23], $0x4000  }
0xcf: {  	[sflag:s23] =	ssyncset.done $0x0  }
0xd0: {  	s14 =	rddreg [dreg:$0x5];
	[sflag:s23] =	ssyncadd.s32 $0xFFFFC000  }
0xd1: {  	[hbm4b:s14+s3] =	stream.linear.scatter [tilespmem:s26], [sflag:$0x9], $0x4000, $0x38;
	[tilespmem:$0x1C200] =	vst v63  }
0xd2: {  	_ =	swait.ge [sflag:s24], $0x4000  }
0xd3: {  	[sflag:s24] =	ssyncset.done $0x0  }
0xd4: {  	[sflag:s24] =	ssyncadd.s32 $0xFFFFC000  }
0xd5: {  	v3 =	vld [tilespmem:$0x70];
	_ =	sdelay $0x4  }
0xd6: {  	v39 =	vshll.u32 v3, $0x3  }
0xd7: {  	v3 =	vand.u32 $0x7, v3;
	v4 =	vand.u32 $0xFFFFFFC0, v39  }
0xd8: {  	v3 =	vor.u32 v3, v4  }
0xd9: {  	v4 =	vperm.xlane v3, v0;
	_ =	sdelay $0x1  }
0xda: {  	v4 =	vadd.s32 v1, v4;
	_ =	sdelay $0x4  }
0xdb: {  	[tilespmem:s31], [sflag:$0x1] =	stream.indirect_vreg.gather [hbm4b:s2+s3], $0x80, v4, vm0, $0xb8;
	[tilespmem:$0x1C200] =	vst v63  }
0xdc: {  	s15 =	simm.s32 $0xA00;
	v3 =	vperm.xlane v3, v2  }
0xdd: {  	[tilespmem:s15], [sflag:$0x1] =	stream.indirect_vreg.gather [hbm4b:s5+s3], $0x80, v4, vm0, $0xb8;
	[tilespmem:$0x1C200] =	vst v63  }
0xde: {  	s19 =	simm.s32 $0x1200;
	v3 =	vadd.s32 v1, v3  }
0xdf: {  	[tilespmem:s19], [sflag:$0x1] =	stream.indirect_vreg.gather [hbm4b:s6+s3], $0x80, v4, vm0, $0xb8;
	[tilespmem:$0x1C200] =	vst v63  }
0xe0: {  	s15 =	simm.s32 $0x1A00  }
0xe1: {  	[tilespmem:s15], [sflag:$0x1] =	stream.indirect_vreg.gather [hbm4b:s7+s3], $0x80, v4, vm0, $0xb8;
	[tilespmem:$0x1C200] =	vst v63  }
0xe2: {  	s19 =	simm.s32 $0x2200  }
0xe3: {  	[tilespmem:s19], [sflag:$0x1] =	stream.indirect_vreg.gather [hbm4b:s2+s3], $0x80, v3, vm0, $0xb8;
	[tilespmem:$0x1C200] =	vst v63  }
0xe4: {  	s15 =	simm.s32 $0x2A00  }
0xe5: {  	[tilespmem:s15], [sflag:$0x1] =	stream.indirect_vreg.gather [hbm4b:s5+s3], $0x80, v3, vm0, $0xb8;
	[tilespmem:$0x1C200] =	vst v63  }
0xe6: {  	s19 =	simm.s32 $0x3200  }
0xe7: {  	[tilespmem:s19], [sflag:$0x1] =	stream.indirect_vreg.gather [hbm4b:s6+s3], $0x80, v3, vm0, $0xb8;
	[tilespmem:$0x1C200] =	vst v63  }
0xe8: {  	s16 =	simm.s32 $0x3A00  }
0xe9: {  	[tilespmem:s16], [sflag:$0x1] =	stream.indirect_vreg.gather [hbm4b:s7+s3], $0x80, v3, vm0, $0xb8;
	[tilespmem:$0x1C200] =	vst v63  }
0xea: {  	_ =	swait.ge [sflag:s25], $0x4000  }
0xeb: {  	[sflag:s25] =	ssyncset.done $0x0  }
0xec: {  	s15 =	rddreg [dreg:$0x6];
	[sflag:s25] =	ssyncadd.s32 $0xFFFFC000  }
0xed: {  	[hbm4b:s15+s3] =	stream.linear.scatter [tilespmem:s4], [sflag:$0xA], $0x4000, $0x38;
	[tilespmem:$0x1C200] =	vst v63  }
0xee: {  	_ =	swait.ge [sflag:s28], $0x4000  }
0xef: {  	[sflag:s28] =	ssyncset.done $0x0  }
0xf0: {  	[sflag:s28] =	ssyncadd.s32 $0xFFFFC000  }
0xf1: {  	v3 =	vld [tilespmem:$0x80];
	_ =	sdelay $0x4  }
0xf2: {  	v40 =	vshll.u32 v3, $0x3  }
0xf3: {  	v3 =	vand.u32 $0x7, v3;
	v4 =	vand.u32 $0xFFFFFFC0, v40  }
0xf4: {  	v3 =	vor.u32 v3, v4  }
0xf5: {  	v4 =	vperm.xlane v3, v0;
	_ =	sdelay $0x1  }
0xf6: {  	v4 =	vadd.s32 v1, v4;
	_ =	sdelay $0x4  }
0xf7: {  	[tilespmem:s26], [sflag:$0x2] =	stream.indirect_vreg.gather [hbm4b:s2+s3], $0x80, v4, vm0, $0xb8;
	[tilespmem:$0x1C200] =	vst v63  }
0xf8: {  	s19 =	simm.s32 $0x4A00;
	v3 =	vperm.xlane v3, v2  }
0xf9: {  	[tilespmem:s19], [sflag:$0x2] =	stream.indirect_vreg.gather [hbm4b:s5+s3], $0x80, v4, vm0, $0xb8;
	[tilespmem:$0x1C200] =	vst v63  }
0xfa: {  	s16 =	simm.s32 $0x5200;
	v3 =	vadd.s32 v1, v3  }
0xfb: {  	[tilespmem:s16], [sflag:$0x2] =	stream.indirect_vreg.gather [hbm4b:s6+s3], $0x80, v4, vm0, $0xb8;
	[tilespmem:$0x1C200] =	vst v63  }
0xfc: {  	s15 =	simm.s32 $0x5A00  }
0xfd: {  	[tilespmem:s15], [sflag:$0x2] =	stream.indirect_vreg.gather [hbm4b:s7+s3], $0x80, v4, vm0, $0xb8;
	[tilespmem:$0x1C200] =	vst v63  }
0xfe: {  	s16 =	simm.s32 $0x6200  }
0xff: {  	[tilespmem:s16], [sflag:$0x2] =	stream.indirect_vreg.gather [hbm4b:s2+s3], $0x80, v3, vm0, $0xb8;
	[tilespmem:$0x1C200] =	vst v63  }
0x100: {  	s15 =	simm.s32 $0x6A00  }
0x101: {  	[tilespmem:s15], [sflag:$0x2] =	stream.indirect_vreg.gather [hbm4b:s5+s3], $0x80, v3, vm0, $0xb8;
	[tilespmem:$0x1C200] =	vst v63  }
0x102: {  	s16 =	simm.s32 $0x7200  }
0x103: {  	[tilespmem:s16], [sflag:$0x2] =	stream.indirect_vreg.gather [hbm4b:s6+s3], $0x80, v3, vm0, $0xb8;
	[tilespmem:$0x1C200] =	vst v63  }
0x104: {  	s14 =	simm.s32 $0x7A00  }
0x105: {  	[tilespmem:s14], [sflag:$0x2] =	stream.indirect_vreg.gather [hbm4b:s7+s3], $0x80, v3, vm0, $0xb8;
	[tilespmem:$0x1C200] =	vst v63  }
0x106: {  	_ =	swait.ge [sflag:s29], $0x4000  }
0x107: {  	[sflag:s29] =	ssyncset.done $0x0  }
0x108: {  	s14 =	rddreg [dreg:$0x7];
	[sflag:s29] =	ssyncadd.s32 $0xFFFFC000  }
0x109: {  	[hbm4b:s14+s3] =	stream.linear.scatter [tilespmem:s9], [sflag:$0xB], $0x4000, $0x38;
	[tilespmem:$0x1C200] =	vst v63  }
0x10a: {  	_ =	swait.ge [sflag:s30], $0x4000  }
0x10b: {  	[sflag:s30] =	ssyncset.done $0x0  }
0x10c: {  	[sflag:s30] =	ssyncadd.s32 $0xFFFFC000  }
0x10d: {  	v3 =	vld [tilespmem:$0x90];
	_ =	sdelay $0x4  }
0x10e: {  	v41 =	vshll.u32 v3, $0x3  }
0x10f: {  	v3 =	vand.u32 $0x7, v3;
	v4 =	vand.u32 $0xFFFFFFC0, v41  }
0x110: {  	v3 =	vor.u32 v3, v4  }
0x111: {  	v4 =	vperm.xlane v3, v0;
	_ =	sdelay $0x1  }
0x112: {  	v4 =	vadd.s32 v1, v4;
	_ =	sdelay $0x4  }
0x113: {  	[tilespmem:s4], [sflag:$0x3] =	stream.indirect_vreg.gather [hbm4b:s2+s3], $0x80, v4, vm0, $0xb8;
	[tilespmem:$0x1C200] =	vst v63  }
0x114: {  	s14 =	simm.s32 $0x8A00;
	v3 =	vperm.xlane v3, v2  }
0x115: {  	[tilespmem:s14], [sflag:$0x3] =	stream.indirect_vreg.gather [hbm4b:s5+s3], $0x80, v4, vm0, $0xb8;
	[tilespmem:$0x1C200] =	vst v63  }
0x116: {  	v3 =	vadd.s32 v1, v3;
	s14 =	simm.s32 $0x9200  }
0x117: {  	[tilespmem:s14], [sflag:$0x3] =	stream.indirect_vreg.gather [hbm4b:s6+s3], $0x80, v4, vm0, $0xb8;
	[tilespmem:$0x1C200] =	vst v63  }
0x118: {  	s14 =	simm.s32 $0x9A00  }
0x119: {  	[tilespmem:s14], [sflag:$0x3] =	stream.indirect_vreg.gather [hbm4b:s7+s3], $0x80, v4, vm0, $0xb8;
	[tilespmem:$0x1C200] =	vst v63  }
0x11a: {  	s14 =	simm.s32 $0xA200  }
0x11b: {  	[tilespmem:s14], [sflag:$0x3] =	stream.indirect_vreg.gather [hbm4b:s2+s3], $0x80, v3, vm0, $0xb8;
	[tilespmem:$0x1C200] =	vst v63  }
0x11c: {  	s14 =	simm.s32 $0xAA00  }
0x11d: {  	[tilespmem:s14], [sflag:$0x3] =	stream.indirect_vreg.gather [hbm4b:s5+s3], $0x80, v3, vm0, $0xb8;
	[tilespmem:$0x1C200] =	vst v63  }
0x11e: {  	s14 =	simm.s32 $0xB200  }
0x11f: {  	[tilespmem:s14], [sflag:$0x3] =	stream.indirect_vreg.gather [hbm4b:s6+s3], $0x80, v3, vm0, $0xb8;
	[tilespmem:$0x1C200] =	vst v63  }
0x120: {  	s14 =	simm.s32 $0xBA00  }
0x121: {  	[tilespmem:s14], [sflag:$0x3] =	stream.indirect_vreg.gather [hbm4b:s7+s3], $0x80, v3, vm0, $0xb8;
	[tilespmem:$0x1C200] =	vst v63  }
0x122: {  	_ =	swait.ge [sflag:s17], $0x4000  }
0x123: {  	[sflag:s17] =	ssyncset.done $0x0  }
0x124: {  	s14 =	rddreg [dreg:$0x8];
	[sflag:s17] =	ssyncadd.s32 $0xFFFFC000  }
0x125: {  	[hbm4b:s14+s3] =	stream.linear.scatter [tilespmem:s20], [sflag:$0xC], $0x4000, $0x38;
	[tilespmem:$0x1C200] =	vst v63  }
0x126: {  	_ =	swait.ge [sflag:s0], $0x4000  }
0x127: {  	[sflag:s0] =	ssyncset.done $0x0  }
0x128: {  	[sflag:s0] =	ssyncadd.s32 $0xFFFFC000  }
0x129: {  	v3 =	vld [tilespmem:$0xA0];
	_ =	sdelay $0x4  }
0x12a: {  	v42 =	vshll.u32 v3, $0x3  }
0x12b: {  	v3 =	vand.u32 $0x7, v3;
	v4 =	vand.u32 $0xFFFFFFC0, v42  }
0x12c: {  	v3 =	vor.u32 v3, v4  }
0x12d: {  	v4 =	vperm.xlane v3, v0;
	_ =	sdelay $0x1  }
0x12e: {  	v4 =	vadd.s32 v1, v4;
	_ =	sdelay $0x4  }
0x12f: {  	[tilespmem:s9], [sflag:$0x4] =	stream.indirect_vreg.gather [hbm4b:s2+s3], $0x80, v4, vm0, $0xb8;
	[tilespmem:$0x1C200] =	vst v63  }
0x130: {  	s14 =	simm.s32 $0xCA00;
	v3 =	vperm.xlane v3, v2  }
0x131: {  	[tilespmem:s14], [sflag:$0x4] =	stream.indirect_vreg.gather [hbm4b:s5+s3], $0x80, v4, vm0, $0xb8;
	[tilespmem:$0x1C200] =	vst v63  }
0x132: {  	v3 =	vadd.s32 v1, v3;
	s14 =	simm.s32 $0xD200  }
0x133: {  	[tilespmem:s14], [sflag:$0x4] =	stream.indirect_vreg.gather [hbm4b:s6+s3], $0x80, v4, vm0, $0xb8;
	[tilespmem:$0x1C200] =	vst v63  }
0x134: {  	s14 =	simm.s32 $0xDA00  }
0x135: {  	[tilespmem:s14], [sflag:$0x4] =	stream.indirect_vreg.gather [hbm4b:s7+s3], $0x80, v4, vm0, $0xb8;
	[tilespmem:$0x1C200] =	vst v63  }
0x136: {  	s14 =	simm.s32 $0xE200  }
0x137: {  	[tilespmem:s14], [sflag:$0x4] =	stream.indirect_vreg.gather [hbm4b:s2+s3], $0x80, v3, vm0, $0xb8;
	[tilespmem:$0x1C200] =	vst v63  }
0x138: {  	s14 =	simm.s32 $0xEA00  }
0x139: {  	[tilespmem:s14], [sflag:$0x4] =	stream.indirect_vreg.gather [hbm4b:s5+s3], $0x80, v3, vm0, $0xb8;
	[tilespmem:$0x1C200] =	vst v63  }
0x13a: {  	s14 =	simm.s32 $0xF200  }
0x13b: {  	[tilespmem:s14], [sflag:$0x4] =	stream.indirect_vreg.gather [hbm4b:s6+s3], $0x80, v3, vm0, $0xb8;
	[tilespmem:$0x1C200] =	vst v63  }
0x13c: {  	s14 =	simm.s32 $0xFA00  }
0x13d: {  	[tilespmem:s14], [sflag:$0x4] =	stream.indirect_vreg.gather [hbm4b:s7+s3], $0x80, v3, vm0, $0xb8;
	[tilespmem:$0x1C200] =	vst v63  }
0x13e: {  	_ =	swait.ge [sflag:s1], $0x4000  }
0x13f: {  	[sflag:s1] =	ssyncset.done $0x0  }
0x140: {  	s14 =	rddreg [dreg:$0x9];
	[sflag:s1] =	ssyncadd.s32 $0xFFFFC000  }
0x141: {  	[hbm4b:s14+s3] =	stream.linear.scatter [tilespmem:s22], [sflag:$0xD], $0x4000, $0x38;
	[tilespmem:$0x1C200] =	vst v63  }
0x142: {  	_ =	swait.ge [sflag:s10], $0x4000  }
0x143: {  	[sflag:s10] =	ssyncset.done $0x0  }
0x144: {  	[sflag:s10] =	ssyncadd.s32 $0xFFFFC000  }
0x145: {  	v3 =	vld [tilespmem:$0xB0];
	_ =	sdelay $0x4  }
0x146: {  	v43 =	vshll.u32 v3, $0x3  }
0x147: {  	v3 =	vand.u32 $0x7, v3;
	v4 =	vand.u32 $0xFFFFFFC0, v43  }
0x148: {  	v3 =	vor.u32 v3, v4  }
0x149: {  	v4 =	vperm.xlane v3, v0;
	_ =	sdelay $0x1  }
0x14a: {  	v4 =	vadd.s32 v1, v4;
	_ =	sdelay $0x4  }
0x14b: {  	[tilespmem:s20], [sflag:$0x5] =	stream.indirect_vreg.gather [hbm4b:s2+s3], $0x80, v4, vm0, $0xb8;
	[tilespmem:$0x1C200] =	vst v63  }
0x14c: {  	s14 =	simm.s32 $0x10A00;
	v3 =	vperm.xlane v3, v2  }
0x14d: {  	[tilespmem:s14], [sflag:$0x5] =	stream.indirect_vreg.gather [hbm4b:s5+s3], $0x80, v4, vm0, $0xb8;
	[tilespmem:$0x1C200] =	vst v63  }
0x14e: {  	v3 =	vadd.s32 v1, v3;
	s14 =	simm.s32 $0x11200  }
0x14f: {  	[tilespmem:s14], [sflag:$0x5] =	stream.indirect_vreg.gather [hbm4b:s6+s3], $0x80, v4, vm0, $0xb8;
	[tilespmem:$0x1C200] =	vst v63  }
0x150: {  	s14 =	simm.s32 $0x11A00  }
0x151: {  	[tilespmem:s14], [sflag:$0x5] =	stream.indirect_vreg.gather [hbm4b:s7+s3], $0x80, v4, vm0, $0xb8;
	[tilespmem:$0x1C200] =	vst v63  }
0x152: {  	s14 =	simm.s32 $0x12200  }
0x153: {  	[tilespmem:s14], [sflag:$0x5] =	stream.indirect_vreg.gather [hbm4b:s2+s3], $0x80, v3, vm0, $0xb8;
	[tilespmem:$0x1C200] =	vst v63  }
0x154: {  	s14 =	simm.s32 $0x12A00  }
0x155: {  	[tilespmem:s14], [sflag:$0x5] =	stream.indirect_vreg.gather [hbm4b:s5+s3], $0x80, v3, vm0, $0xb8;
	[tilespmem:$0x1C200] =	vst v63  }
0x156: {  	s14 =	simm.s32 $0x13200  }
0x157: {  	[tilespmem:s14], [sflag:$0x5] =	stream.indirect_vreg.gather [hbm4b:s6+s3], $0x80, v3, vm0, $0xb8;
	[tilespmem:$0x1C200] =	vst v63  }
0x158: {  	s14 =	simm.s32 $0x13A00  }
0x159: {  	[tilespmem:s14], [sflag:$0x5] =	stream.indirect_vreg.gather [hbm4b:s7+s3], $0x80, v3, vm0, $0xb8;
	[tilespmem:$0x1C200] =	vst v63  }
0x15a: {  	_ =	swait.ge [sflag:s11], $0x4000  }
0x15b: {  	[sflag:s11] =	ssyncset.done $0x0  }
0x15c: {  	s14 =	rddreg [dreg:$0xa];
	[sflag:s11] =	ssyncadd.s32 $0xFFFFC000  }
0x15d: {  	[hbm4b:s14+s3] =	stream.linear.scatter [tilespmem:s18], [sflag:$0xE], $0x4000, $0x38;
	[tilespmem:$0x1C200] =	vst v63  }
0x15e: {  	_ =	swait.ge [sflag:s12], $0x4000  }
0x15f: {  	[sflag:s12] =	ssyncset.done $0x0  }
0x160: {  	[sflag:s12] =	ssyncadd.s32 $0xFFFFC000  }
0x161: {  	v3 =	vld [tilespmem:$0xC0];
	_ =	sdelay $0x4  }
0x162: {  	v44 =	vshll.u32 v3, $0x3  }
0x163: {  	v3 =	vand.u32 $0x7, v3;
	v4 =	vand.u32 $0xFFFFFFC0, v44  }
0x164: {  	v3 =	vor.u32 v3, v4  }
0x165: {  	v4 =	vperm.xlane v3, v0;
	_ =	sdelay $0x1  }
0x166: {  	v4 =	vadd.s32 v1, v4;
	_ =	sdelay $0x4  }
0x167: {  	[tilespmem:s22], [sflag:$0x6] =	stream.indirect_vreg.gather [hbm4b:s2+s3], $0x80, v4, vm0, $0xb8;
	[tilespmem:$0x1C200] =	vst v63  }
0x168: {  	s14 =	simm.s32 $0x14A00;
	v3 =	vperm.xlane v3, v2  }
0x169: {  	[tilespmem:s14], [sflag:$0x6] =	stream.indirect_vreg.gather [hbm4b:s5+s3], $0x80, v4, vm0, $0xb8;
	[tilespmem:$0x1C200] =	vst v63  }
0x16a: {  	v3 =	vadd.s32 v1, v3;
	s14 =	simm.s32 $0x15200  }
0x16b: {  	[tilespmem:s14], [sflag:$0x6] =	stream.indirect_vreg.gather [hbm4b:s6+s3], $0x80, v4, vm0, $0xb8;
	[tilespmem:$0x1C200] =	vst v63  }
0x16c: {  	s14 =	simm.s32 $0x15A00  }
0x16d: {  	[tilespmem:s14], [sflag:$0x6] =	stream.indirect_vreg.gather [hbm4b:s7+s3], $0x80, v4, vm0, $0xb8;
	[tilespmem:$0x1C200] =	vst v63  }
0x16e: {  	s14 =	simm.s32 $0x16200  }
0x16f: {  	[tilespmem:s14], [sflag:$0x6] =	stream.indirect_vreg.gather [hbm4b:s2+s3], $0x80, v3, vm0, $0xb8;
	[tilespmem:$0x1C200] =	vst v63  }
0x170: {  	s14 =	simm.s32 $0x16A00  }
0x171: {  	[tilespmem:s14], [sflag:$0x6] =	stream.indirect_vreg.gather [hbm4b:s5+s3], $0x80, v3, vm0, $0xb8;
	[tilespmem:$0x1C200] =	vst v63  }
0x172: {  	s14 =	simm.s32 $0x17200  }
0x173: {  	[tilespmem:s14], [sflag:$0x6] =	stream.indirect_vreg.gather [hbm4b:s6+s3], $0x80, v3, vm0, $0xb8;
	[tilespmem:$0x1C200] =	vst v63  }
0x174: {  	s14 =	simm.s32 $0x17A00  }
0x175: {  	[tilespmem:s14], [sflag:$0x6] =	stream.indirect_vreg.gather [hbm4b:s7+s3], $0x80, v3, vm0, $0xb8;
	[tilespmem:$0x1C200] =	vst v63  }
0x176: {  	_ =	swait.ge [sflag:s21], $0x4000  }
0x177: {  	[sflag:s21] =	ssyncset.done $0x0  }
0x178: {  	s14 =	rddreg [dreg:$0xb];
	[sflag:s21] =	ssyncadd.s32 $0xFFFFC000  }
0x179: {  	[hbm4b:s14+s3] =	stream.linear.scatter [tilespmem:s31], [sflag:$0x8], $0x4000, $0x38;
	[tilespmem:$0x1C200] =	vst v63  }
0x17a: {  	_ =	swait.ge [sflag:s13], $0x4000  }
0x17b: {  	[sflag:s13] =	ssyncset.done $0x0  }
0x17c: {  	[sflag:s13] =	ssyncadd.s32 $0xFFFFC000  }
0x17d: {  	v3 =	vld [tilespmem:$0xD0];
	_ =	sdelay $0x4  }
0x17e: {  	v45 =	vshll.u32 v3, $0x3  }
0x17f: {  	v3 =	vand.u32 $0x7, v3;
	v4 =	vand.u32 $0xFFFFFFC0, v45  }
0x180: {  	v3 =	vor.u32 v3, v4  }
0x181: {  	v4 =	vperm.xlane v3, v0;
	_ =	sdelay $0x1  }
0x182: {  	v4 =	vadd.s32 v1, v4;
	_ =	sdelay $0x4  }
0x183: {  	[tilespmem:s18], [sflag:$0x7] =	stream.indirect_vreg.gather [hbm4b:s2+s3], $0x80, v4, vm0, $0xb8;
	[tilespmem:$0x1C200] =	vst v63  }
0x184: {  	s14 =	simm.s32 $0x18A00;
	v3 =	vperm.xlane v3, v2  }
0x185: {  	[tilespmem:s14], [sflag:$0x7] =	stream.indirect_vreg.gather [hbm4b:s5+s3], $0x80, v4, vm0, $0xb8;
	[tilespmem:$0x1C200] =	vst v63  }
0x186: {  	v3 =	vadd.s32 v1, v3;
	s14 =	simm.s32 $0x19200  }
0x187: {  	[tilespmem:s14], [sflag:$0x7] =	stream.indirect_vreg.gather [hbm4b:s6+s3], $0x80, v4, vm0, $0xb8;
	[tilespmem:$0x1C200] =	vst v63  }
0x188: {  	s14 =	simm.s32 $0x19A00  }
0x189: {  	[tilespmem:s14], [sflag:$0x7] =	stream.indirect_vreg.gather [hbm4b:s7+s3], $0x80, v4, vm0, $0xb8;
	[tilespmem:$0x1C200] =	vst v63  }
0x18a: {  	s14 =	simm.s32 $0x1A200  }
0x18b: {  	[tilespmem:s14], [sflag:$0x7] =	stream.indirect_vreg.gather [hbm4b:s2+s3], $0x80, v3, vm0, $0xb8;
	[tilespmem:$0x1C200] =	vst v63  }
0x18c: {  	s14 =	simm.s32 $0x1AA00  }
0x18d: {  	[tilespmem:s14], [sflag:$0x7] =	stream.indirect_vreg.gather [hbm4b:s5+s3], $0x80, v3, vm0, $0xb8;
	[tilespmem:$0x1C200] =	vst v63  }
0x18e: {  	s14 =	simm.s32 $0x1B200  }
0x18f: {  	[tilespmem:s14], [sflag:$0x7] =	stream.indirect_vreg.gather [hbm4b:s6+s3], $0x80, v3, vm0, $0xb8;
	[tilespmem:$0x1C200] =	vst v63  }
0x190: {  	s14 =	simm.s32 $0x1BA00  }
0x191: {  	[tilespmem:s14], [sflag:$0x7] =	stream.indirect_vreg.gather [hbm4b:s7+s3], $0x80, v3, vm0, $0xb8;
	[tilespmem:$0x1C200] =	vst v63  }
0x192: {  	_ =	swait.ge [sflag:s23], $0x4000  }
0x193: {  	[sflag:s23] =	ssyncset.done $0x0  }
0x194: {  	s14 =	rddreg [dreg:$0xc];
	[sflag:s23] =	ssyncadd.s32 $0xFFFFC000  }
0x195: {  	[hbm4b:s14+s3] =	stream.linear.scatter [tilespmem:s26], [sflag:$0x9], $0x4000, $0x38;
	[tilespmem:$0x1C200] =	vst v63  }
0x196: {  	_ =	swait.ge [sflag:s24], $0x4000  }
0x197: {  	[sflag:s24] =	ssyncset.done $0x0  }
0x198: {  	[sflag:s24] =	ssyncadd.s32 $0xFFFFC000  }
0x199: {  	v3 =	vld [tilespmem:$0xE0];
	_ =	sdelay $0x4  }
0x19a: {  	v46 =	vshll.u32 v3, $0x3  }
0x19b: {  	v3 =	vand.u32 $0x7, v3;
	v4 =	vand.u32 $0xFFFFFFC0, v46  }
0x19c: {  	v3 =	vor.u32 v3, v4  }
0x19d: {  	v4 =	vperm.xlane v3, v0;
	_ =	sdelay $0x1  }
0x19e: {  	v4 =	vadd.s32 v1, v4;
	_ =	sdelay $0x4  }
0x19f: {  	[tilespmem:s31], [sflag:$0x1] =	stream.indirect_vreg.gather [hbm4b:s2+s3], $0x80, v4, vm0, $0xb8;
	[tilespmem:$0x1C200] =	vst v63  }
0x1a0: {  	s14 =	simm.s32 $0xA00;
	v3 =	vperm.xlane v3, v2  }
0x1a1: {  	[tilespmem:s14], [sflag:$0x1] =	stream.indirect_vreg.gather [hbm4b:s5+s3], $0x80, v4, vm0, $0xb8;
	[tilespmem:$0x1C200] =	vst v63  }
0x1a2: {  	v3 =	vadd.s32 v1, v3;
	s14 =	simm.s32 $0x1200  }
0x1a3: {  	[tilespmem:s14], [sflag:$0x1] =	stream.indirect_vreg.gather [hbm4b:s6+s3], $0x80, v4, vm0, $0xb8;
	[tilespmem:$0x1C200] =	vst v63  }
0x1a4: {  	s14 =	simm.s32 $0x1A00  }
0x1a5: {  	[tilespmem:s14], [sflag:$0x1] =	stream.indirect_vreg.gather [hbm4b:s7+s3], $0x80, v4, vm0, $0xb8;
	[tilespmem:$0x1C200] =	vst v63  }
0x1a6: {  	s14 =	simm.s32 $0x2200  }
0x1a7: {  	[tilespmem:s14], [sflag:$0x1] =	stream.indirect_vreg.gather [hbm4b:s2+s3], $0x80, v3, vm0, $0xb8;
	[tilespmem:$0x1C200] =	vst v63  }
0x1a8: {  	s14 =	simm.s32 $0x2A00  }
0x1a9: {  	[tilespmem:s14], [sflag:$0x1] =	stream.indirect_vreg.gather [hbm4b:s5+s3], $0x80, v3, vm0, $0xb8;
	[tilespmem:$0x1C200] =	vst v63  }
0x1aa: {  	s14 =	simm.s32 $0x3200  }
0x1ab: {  	[tilespmem:s14], [sflag:$0x1] =	stream.indirect_vreg.gather [hbm4b:s6+s3], $0x80, v3, vm0, $0xb8;
	[tilespmem:$0x1C200] =	vst v63  }
0x1ac: {  	s14 =	simm.s32 $0x3A00  }
0x1ad: {  	[tilespmem:s14], [sflag:$0x1] =	stream.indirect_vreg.gather [hbm4b:s7+s3], $0x80, v3, vm0, $0xb8;
	[tilespmem:$0x1C200] =	vst v63  }
0x1ae: {  	_ =	swait.ge [sflag:s25], $0x4000  }
0x1af: {  	[sflag:s25] =	ssyncset.done $0x0  }
0x1b0: {  	s14 =	rddreg [dreg:$0xd];
	[sflag:s25] =	ssyncadd.s32 $0xFFFFC000  }
0x1b1: {  	[hbm4b:s14+s3] =	stream.linear.scatter [tilespmem:s4], [sflag:$0xA], $0x4000, $0x38;
	[tilespmem:$0x1C200] =	vst v63  }
0x1b2: {  	_ =	swait.ge [sflag:s28], $0x4000  }
0x1b3: {  	[sflag:s28] =	ssyncset.done $0x0  }
0x1b4: {  	[sflag:s28] =	ssyncadd.s32 $0xFFFFC000  }
0x1b5: {  	v3 =	vld [tilespmem:$0xF0];
	_ =	sdelay $0x4  }
0x1b6: {  	v47 =	vshll.u32 v3, $0x3  }
0x1b7: {  	v3 =	vand.u32 $0x7, v3;
	v4 =	vand.u32 $0xFFFFFFC0, v47  }
0x1b8: {  	v3 =	vor.u32 v3, v4  }
0x1b9: {  	v4 =	vperm.xlane v3, v0;
	_ =	sdelay $0x1  }
0x1ba: {  	v4 =	vadd.s32 v1, v4;
	_ =	sdelay $0x4  }
0x1bb: {  	[tilespmem:s26], [sflag:$0x2] =	stream.indirect_vreg.gather [hbm4b:s2+s3], $0x80, v4, vm0, $0xb8;
	[tilespmem:$0x1C200] =	vst v63  }
0x1bc: {  	v3 =	vperm.xlane v3, v2  }
0x1bd: {  	[tilespmem:s19], [sflag:$0x2] =	stream.indirect_vreg.gather [hbm4b:s5+s3], $0x80, v4, vm0, $0xb8;
	[tilespmem:$0x1C200] =	vst v63  }
0x1be: {  	v3 =	vadd.s32 v1, v3;
	s19 =	simm.s32 $0x5200  }
0x1bf: {  	[tilespmem:s19], [sflag:$0x2] =	stream.indirect_vreg.gather [hbm4b:s6+s3], $0x80, v4, vm0, $0xb8;
	[tilespmem:$0x1C200] =	vst v63  }
0x1c0: {  	s19 =	simm.s32 $0x5A00  }
0x1c1: {  	[tilespmem:s19], [sflag:$0x2] =	stream.indirect_vreg.gather [hbm4b:s7+s3], $0x80, v4, vm0, $0xb8;
	[tilespmem:$0x1C200] =	vst v63  }
0x1c2: {  	s19 =	simm.s32 $0x6200  }
0x1c3: {  	[tilespmem:s19], [sflag:$0x2] =	stream.indirect_vreg.gather [hbm4b:s2+s3], $0x80, v3, vm0, $0xb8;
	[tilespmem:$0x1C200] =	vst v63  }
0x1c4: {  	_ = 	snop  }
0x1c5: {  	[tilespmem:s15], [sflag:$0x2] =	stream.indirect_vreg.gather [hbm4b:s5+s3], $0x80, v3, vm0, $0xb8;
	[tilespmem:$0x1C200] =	vst v63  }
0x1c6: {  	_ = 	snop  }
0x1c7: {  	[tilespmem:s16], [sflag:$0x2] =	stream.indirect_vreg.gather [hbm4b:s6+s3], $0x80, v3, vm0, $0xb8;
	[tilespmem:$0x1C200] =	vst v63  }
0x1c8: {  	s16 =	simm.s32 $0x7A00  }
0x1c9: {  	[tilespmem:s16], [sflag:$0x2] =	stream.indirect_vreg.gather [hbm4b:s7+s3], $0x80, v3, vm0, $0xb8;
	[tilespmem:$0x1C200] =	vst v63  }
0x1ca: {  	_ =	swait.ge [sflag:s29], $0x4000  }
0x1cb: {  	[sflag:s29] =	ssyncset.done $0x0  }
0x1cc: {  	s15 =	rddreg [dreg:$0xe];
	[sflag:s29] =	ssyncadd.s32 $0xFFFFC000  }
0x1cd: {  	[hbm4b:s15+s3] =	stream.linear.scatter [tilespmem:s9], [sflag:$0xB], $0x4000, $0x38;
	[tilespmem:$0x1C200] =	vst v63  }
0x1ce: {  	_ =	swait.ge [sflag:s30], $0x4000  }
0x1cf: {  	[sflag:s30] =	ssyncset.done $0x0  }
0x1d0: {  	[sflag:s30] =	ssyncadd.s32 $0xFFFFC000  }
0x1d1: {  	v3 =	vld [tilespmem:$0x100];
	_ =	sdelay $0x4  }
0x1d2: {  	v48 =	vshll.u32 v3, $0x3  }
0x1d3: {  	v3 =	vand.u32 $0x7, v3;
	v4 =	vand.u32 $0xFFFFFFC0, v48  }
0x1d4: {  	v3 =	vor.u32 v3, v4  }
0x1d5: {  	v4 =	vperm.xlane v3, v0;
	_ =	sdelay $0x1  }
0x1d6: {  	v4 =	vadd.s32 v1, v4;
	_ =	sdelay $0x4  }
0x1d7: {  	[tilespmem:s4], [sflag:$0x3] =	stream.indirect_vreg.gather [hbm4b:s2+s3], $0x80, v4, vm0, $0xb8;
	[tilespmem:$0x1C200] =	vst v63  }
0x1d8: {  	s16 =	simm.s32 $0x8A00;
	v3 =	vperm.xlane v3, v2  }
0x1d9: {  	[tilespmem:s16], [sflag:$0x3] =	stream.indirect_vreg.gather [hbm4b:s5+s3], $0x80, v4, vm0, $0xb8;
	[tilespmem:$0x1C200] =	vst v63  }
0x1da: {  	s15 =	simm.s32 $0x9200;
	v3 =	vadd.s32 v1, v3  }
0x1db: {  	[tilespmem:s15], [sflag:$0x3] =	stream.indirect_vreg.gather [hbm4b:s6+s3], $0x80, v4, vm0, $0xb8;
	[tilespmem:$0x1C200] =	vst v63  }
0x1dc: {  	s16 =	simm.s32 $0x9A00  }
0x1dd: {  	[tilespmem:s16], [sflag:$0x3] =	stream.indirect_vreg.gather [hbm4b:s7+s3], $0x80, v4, vm0, $0xb8;
	[tilespmem:$0x1C200] =	vst v63  }
0x1de: {  	s15 =	simm.s32 $0xA200  }
0x1df: {  	[tilespmem:s15], [sflag:$0x3] =	stream.indirect_vreg.gather [hbm4b:s2+s3], $0x80, v3, vm0, $0xb8;
	[tilespmem:$0x1C200] =	vst v63  }
0x1e0: {  	s16 =	simm.s32 $0xAA00  }
0x1e1: {  	[tilespmem:s16], [sflag:$0x3] =	stream.indirect_vreg.gather [hbm4b:s5+s3], $0x80, v3, vm0, $0xb8;
	[tilespmem:$0x1C200] =	vst v63  }
0x1e2: {  	s15 =	simm.s32 $0xB200  }
0x1e3: {  	[tilespmem:s15], [sflag:$0x3] =	stream.indirect_vreg.gather [hbm4b:s6+s3], $0x80, v3, vm0, $0xb8;
	[tilespmem:$0x1C200] =	vst v63  }
0x1e4: {  	s16 =	simm.s32 $0xBA00  }
0x1e5: {  	[tilespmem:s16], [sflag:$0x3] =	stream.indirect_vreg.gather [hbm4b:s7+s3], $0x80, v3, vm0, $0xb8;
	[tilespmem:$0x1C200] =	vst v63  }
0x1e6: {  	_ =	swait.ge [sflag:s17], $0x4000  }
0x1e7: {  	[sflag:s17] =	ssyncset.done $0x0  }
0x1e8: {  	s15 =	rddreg [dreg:$0xf];
	[sflag:s17] =	ssyncadd.s32 $0xFFFFC000  }
0x1e9: {  	[hbm4b:s15+s3] =	stream.linear.scatter [tilespmem:s20], [sflag:$0xC], $0x4000, $0x38;
	[tilespmem:$0x1C200] =	vst v63  }
0x1ea: {  	_ =	swait.ge [sflag:s0], $0x4000  }
0x1eb: {  	[sflag:s0] =	ssyncset.done $0x0  }
0x1ec: {  	[sflag:s0] =	ssyncadd.s32 $0xFFFFC000  }
0x1ed: {  	v3 =	vld [tilespmem:$0x110];
	_ =	sdelay $0x4  }
0x1ee: {  	v49 =	vshll.u32 v3, $0x3  }
0x1ef: {  	v3 =	vand.u32 $0x7, v3;
	v4 =	vand.u32 $0xFFFFFFC0, v49  }
0x1f0: {  	v3 =	vor.u32 v3, v4  }
0x1f1: {  	v4 =	vperm.xlane v3, v0;
	_ =	sdelay $0x1  }
0x1f2: {  	v4 =	vadd.s32 v1, v4;
	_ =	sdelay $0x4  }
0x1f3: {  	[tilespmem:s9], [sflag:$0x4] =	stream.indirect_vreg.gather [hbm4b:s2+s3], $0x80, v4, vm0, $0xb8;
	[tilespmem:$0x1C200] =	vst v63  }
0x1f4: {  	s16 =	simm.s32 $0xCA00;
	v3 =	vperm.xlane v3, v2  }
0x1f5: {  	[tilespmem:s16], [sflag:$0x4] =	stream.indirect_vreg.gather [hbm4b:s5+s3], $0x80, v4, vm0, $0xb8;
	[tilespmem:$0x1C200] =	vst v63  }
0x1f6: {  	s15 =	simm.s32 $0xD200;
	v3 =	vadd.s32 v1, v3  }
0x1f7: {  	[tilespmem:s15], [sflag:$0x4] =	stream.indirect_vreg.gather [hbm4b:s6+s3], $0x80, v4, vm0, $0xb8;
	[tilespmem:$0x1C200] =	vst v63  }
0x1f8: {  	s16 =	simm.s32 $0xDA00  }
0x1f9: {  	[tilespmem:s16], [sflag:$0x4] =	stream.indirect_vreg.gather [hbm4b:s7+s3], $0x80, v4, vm0, $0xb8;
	[tilespmem:$0x1C200] =	vst v63  }
0x1fa: {  	s15 =	simm.s32 $0xE200  }
0x1fb: {  	[tilespmem:s15], [sflag:$0x4] =	stream.indirect_vreg.gather [hbm4b:s2+s3], $0x80, v3, vm0, $0xb8;
	[tilespmem:$0x1C200] =	vst v63  }
0x1fc: {  	s16 =	simm.s32 $0xEA00  }
0x1fd: {  	[tilespmem:s16], [sflag:$0x4] =	stream.indirect_vreg.gather [hbm4b:s5+s3], $0x80, v3, vm0, $0xb8;
	[tilespmem:$0x1C200] =	vst v63  }
0x1fe: {  	s15 =	simm.s32 $0xF200  }
0x1ff: {  	[tilespmem:s15], [sflag:$0x4] =	stream.indirect_vreg.gather [hbm4b:s6+s3], $0x80, v3, vm0, $0xb8;
	[tilespmem:$0x1C200] =	vst v63  }
0x200: {  	s16 =	simm.s32 $0xFA00  }
0x201: {  	[tilespmem:s16], [sflag:$0x4] =	stream.indirect_vreg.gather [hbm4b:s7+s3], $0x80, v3, vm0, $0xb8;
	[tilespmem:$0x1C200] =	vst v63  }
0x202: {  	_ =	swait.ge [sflag:s1], $0x4000  }
0x203: {  	[sflag:s1] =	ssyncset.done $0x0  }
0x204: {  	s15 =	rddreg [dreg:$0x10];
	[sflag:s1] =	ssyncadd.s32 $0xFFFFC000  }
0x205: {  	[hbm4b:s15+s3] =	stream.linear.scatter [tilespmem:s22], [sflag:$0xD], $0x4000, $0x38;
	[tilespmem:$0x1C200] =	vst v63  }
0x206: {  	_ =	swait.ge [sflag:s10], $0x4000  }
0x207: {  	[sflag:s10] =	ssyncset.done $0x0  }
0x208: {  	[sflag:s10] =	ssyncadd.s32 $0xFFFFC000  }
0x209: {  	v3 =	vld [tilespmem:$0x120];
	_ =	sdelay $0x4  }
0x20a: {  	v50 =	vshll.u32 v3, $0x3  }
0x20b: {  	v3 =	vand.u32 $0x7, v3;
	v4 =	vand.u32 $0xFFFFFFC0, v50  }
0x20c: {  	v3 =	vor.u32 v3, v4  }
0x20d: {  	v4 =	vperm.xlane v3, v0;
	_ =	sdelay $0x1  }
0x20e: {  	v4 =	vadd.s32 v1, v4;
	_ =	sdelay $0x4  }
0x20f: {  	[tilespmem:s20], [sflag:$0x5] =	stream.indirect_vreg.gather [hbm4b:s2+s3], $0x80, v4, vm0, $0xb8;
	[tilespmem:$0x1C200] =	vst v63  }
0x210: {  	s16 =	simm.s32 $0x10A00;
	v3 =	vperm.xlane v3, v2  }
0x211: {  	[tilespmem:s16], [sflag:$0x5] =	stream.indirect_vreg.gather [hbm4b:s5+s3], $0x80, v4, vm0, $0xb8;
	[tilespmem:$0x1C200] =	vst v63  }
0x212: {  	s15 =	simm.s32 $0x11200;
	v3 =	vadd.s32 v1, v3  }
0x213: {  	[tilespmem:s15], [sflag:$0x5] =	stream.indirect_vreg.gather [hbm4b:s6+s3], $0x80, v4, vm0, $0xb8;
	[tilespmem:$0x1C200] =	vst v63  }
0x214: {  	s16 =	simm.s32 $0x11A00  }
0x215: {  	[tilespmem:s16], [sflag:$0x5] =	stream.indirect_vreg.gather [hbm4b:s7+s3], $0x80, v4, vm0, $0xb8;
	[tilespmem:$0x1C200] =	vst v63  }
0x216: {  	s15 =	simm.s32 $0x12200  }
0x217: {  	[tilespmem:s15], [sflag:$0x5] =	stream.indirect_vreg.gather [hbm4b:s2+s3], $0x80, v3, vm0, $0xb8;
	[tilespmem:$0x1C200] =	vst v63  }
0x218: {  	s16 =	simm.s32 $0x12A00  }
0x219: {  	[tilespmem:s16], [sflag:$0x5] =	stream.indirect_vreg.gather [hbm4b:s5+s3], $0x80, v3, vm0, $0xb8;
	[tilespmem:$0x1C200] =	vst v63  }
0x21a: {  	s15 =	simm.s32 $0x13200  }
0x21b: {  	[tilespmem:s15], [sflag:$0x5] =	stream.indirect_vreg.gather [hbm4b:s6+s3], $0x80, v3, vm0, $0xb8;
	[tilespmem:$0x1C200] =	vst v63  }
0x21c: {  	s16 =	simm.s32 $0x13A00  }
0x21d: {  	[tilespmem:s16], [sflag:$0x5] =	stream.indirect_vreg.gather [hbm4b:s7+s3], $0x80, v3, vm0, $0xb8;
	[tilespmem:$0x1C200] =	vst v63  }
0x21e: {  	_ =	swait.ge [sflag:s11], $0x4000  }
0x21f: {  	[sflag:s11] =	ssyncset.done $0x0  }
0x220: {  	s15 =	rddreg [dreg:$0x11];
	[sflag:s11] =	ssyncadd.s32 $0xFFFFC000  }
0x221: {  	[hbm4b:s15+s3] =	stream.linear.scatter [tilespmem:s18], [sflag:$0xE], $0x4000, $0x38;
	[tilespmem:$0x1C200] =	vst v63  }
0x222: {  	_ =	swait.ge [sflag:s12], $0x4000  }
0x223: {  	[sflag:s12] =	ssyncset.done $0x0  }
0x224: {  	[sflag:s12] =	ssyncadd.s32 $0xFFFFC000  }
0x225: {  	v3 =	vld [tilespmem:$0x130];
	_ =	sdelay $0x4  }
0x226: {  	v51 =	vshll.u32 v3, $0x3  }
0x227: {  	v3 =	vand.u32 $0x7, v3;
	v4 =	vand.u32 $0xFFFFFFC0, v51  }
0x228: {  	v3 =	vor.u32 v3, v4  }
0x229: {  	v4 =	vperm.xlane v3, v0;
	_ =	sdelay $0x1  }
0x22a: {  	v4 =	vadd.s32 v1, v4;
	_ =	sdelay $0x4  }
0x22b: {  	[tilespmem:s22], [sflag:$0x6] =	stream.indirect_vreg.gather [hbm4b:s2+s3], $0x80, v4, vm0, $0xb8;
	[tilespmem:$0x1C200] =	vst v63  }
0x22c: {  	s16 =	simm.s32 $0x14A00;
	v3 =	vperm.xlane v3, v2  }
0x22d: {  	[tilespmem:s16], [sflag:$0x6] =	stream.indirect_vreg.gather [hbm4b:s5+s3], $0x80, v4, vm0, $0xb8;
	[tilespmem:$0x1C200] =	vst v63  }
0x22e: {  	s15 =	simm.s32 $0x15200;
	v3 =	vadd.s32 v1, v3  }
0x22f: {  	[tilespmem:s15], [sflag:$0x6] =	stream.indirect_vreg.gather [hbm4b:s6+s3], $0x80, v4, vm0, $0xb8;
	[tilespmem:$0x1C200] =	vst v63  }
0x230: {  	s16 =	simm.s32 $0x15A00  }
0x231: {  	[tilespmem:s16], [sflag:$0x6] =	stream.indirect_vreg.gather [hbm4b:s7+s3], $0x80, v4, vm0, $0xb8;
	[tilespmem:$0x1C200] =	vst v63  }
0x232: {  	s15 =	simm.s32 $0x16200  }
0x233: {  	[tilespmem:s15], [sflag:$0x6] =	stream.indirect_vreg.gather [hbm4b:s2+s3], $0x80, v3, vm0, $0xb8;
	[tilespmem:$0x1C200] =	vst v63  }
0x234: {  	s16 =	simm.s32 $0x16A00  }
0x235: {  	[tilespmem:s16], [sflag:$0x6] =	stream.indirect_vreg.gather [hbm4b:s5+s3], $0x80, v3, vm0, $0xb8;
	[tilespmem:$0x1C200] =	vst v63  }
0x236: {  	s15 =	simm.s32 $0x17200  }
0x237: {  	[tilespmem:s15], [sflag:$0x6] =	stream.indirect_vreg.gather [hbm4b:s6+s3], $0x80, v3, vm0, $0xb8;
	[tilespmem:$0x1C200] =	vst v63  }
0x238: {  	s16 =	simm.s32 $0x17A00  }
0x239: {  	[tilespmem:s16], [sflag:$0x6] =	stream.indirect_vreg.gather [hbm4b:s7+s3], $0x80, v3, vm0, $0xb8;
	[tilespmem:$0x1C200] =	vst v63  }
0x23a: {  	_ =	swait.ge [sflag:s21], $0x4000  }
0x23b: {  	[sflag:s21] =	ssyncset.done $0x0  }
0x23c: {  	s15 =	rddreg [dreg:$0x12];
	[sflag:s21] =	ssyncadd.s32 $0xFFFFC000  }
0x23d: {  	[hbm4b:s15+s3] =	stream.linear.scatter [tilespmem:s31], [sflag:$0x8], $0x4000, $0x38;
	[tilespmem:$0x1C200] =	vst v63  }
0x23e: {  	_ =	swait.ge [sflag:s13], $0x4000  }
0x23f: {  	[sflag:s13] =	ssyncset.done $0x0  }
0x240: {  	[sflag:s13] =	ssyncadd.s32 $0xFFFFC000  }
0x241: {  	v3 =	vld [tilespmem:$0x140];
	_ =	sdelay $0x4  }
0x242: {  	v52 =	vshll.u32 v3, $0x3  }
0x243: {  	v3 =	vand.u32 $0x7, v3;
	v4 =	vand.u32 $0xFFFFFFC0, v52  }
0x244: {  	v3 =	vor.u32 v3, v4  }
0x245: {  	v4 =	vperm.xlane v3, v0;
	_ =	sdelay $0x1  }
0x246: {  	v4 =	vadd.s32 v1, v4;
	_ =	sdelay $0x4  }
0x247: {  	[tilespmem:s18], [sflag:$0x7] =	stream.indirect_vreg.gather [hbm4b:s2+s3], $0x80, v4, vm0, $0xb8;
	[tilespmem:$0x1C200] =	vst v63  }
0x248: {  	s16 =	simm.s32 $0x18A00;
	v3 =	vperm.xlane v3, v2  }
0x249: {  	[tilespmem:s16], [sflag:$0x7] =	stream.indirect_vreg.gather [hbm4b:s5+s3], $0x80, v4, vm0, $0xb8;
	[tilespmem:$0x1C200] =	vst v63  }
0x24a: {  	s15 =	simm.s32 $0x19200;
	v3 =	vadd.s32 v1, v3  }
0x24b: {  	[tilespmem:s15], [sflag:$0x7] =	stream.indirect_vreg.gather [hbm4b:s6+s3], $0x80, v4, vm0, $0xb8;
	[tilespmem:$0x1C200] =	vst v63  }
0x24c: {  	s16 =	simm.s32 $0x19A00  }
0x24d: {  	[tilespmem:s16], [sflag:$0x7] =	stream.indirect_vreg.gather [hbm4b:s7+s3], $0x80, v4, vm0, $0xb8;
	[tilespmem:$0x1C200] =	vst v63  }
0x24e: {  	s16 =	simm.s32 $0x1A200  }
0x24f: {  	[tilespmem:s16], [sflag:$0x7] =	stream.indirect_vreg.gather [hbm4b:s2+s3], $0x80, v3, vm0, $0xb8;
	[tilespmem:$0x1C200] =	vst v63  }
0x250: {  	s16 =	simm.s32 $0x1AA00  }
0x251: {  	[tilespmem:s16], [sflag:$0x7] =	stream.indirect_vreg.gather [hbm4b:s5+s3], $0x80, v3, vm0, $0xb8;
	[tilespmem:$0x1C200] =	vst v63  }
0x252: {  	s16 =	simm.s32 $0x1B200  }
0x253: {  	[tilespmem:s16], [sflag:$0x7] =	stream.indirect_vreg.gather [hbm4b:s6+s3], $0x80, v3, vm0, $0xb8;
	[tilespmem:$0x1C200] =	vst v63  }
0x254: {  	s16 =	simm.s32 $0x1BA00  }
0x255: {  	[tilespmem:s16], [sflag:$0x7] =	stream.indirect_vreg.gather [hbm4b:s7+s3], $0x80, v3, vm0, $0xb8;
	[tilespmem:$0x1C200] =	vst v63  }
0x256: {  	_ =	swait.ge [sflag:s23], $0x4000  }
0x257: {  	[sflag:s23] =	ssyncset.done $0x0  }
0x258: {  	s16 =	rddreg [dreg:$0x13];
	[sflag:s23] =	ssyncadd.s32 $0xFFFFC000  }
0x259: {  	[hbm4b:s16+s3] =	stream.linear.scatter [tilespmem:s26], [sflag:$0x9], $0x4000, $0x38;
	[tilespmem:$0x1C200] =	vst v63  }
0x25a: {  	_ =	swait.ge [sflag:s24], $0x4000  }
0x25b: {  	[sflag:s24] =	ssyncset.done $0x0  }
0x25c: {  	[sflag:s24] =	ssyncadd.s32 $0xFFFFC000  }
0x25d: {  	v3 =	vld [tilespmem:$0x150];
	_ =	sdelay $0x4  }
0x25e: {  	v53 =	vshll.u32 v3, $0x3  }
0x25f: {  	v3 =	vand.u32 $0x7, v3;
	v4 =	vand.u32 $0xFFFFFFC0, v53  }
0x260: {  	v3 =	vor.u32 v3, v4  }
0x261: {  	v4 =	vperm.xlane v3, v0;
	_ =	sdelay $0x1  }
0x262: {  	v4 =	vadd.s32 v1, v4;
	_ =	sdelay $0x4  }
0x263: {  	[tilespmem:s31], [sflag:$0x1] =	stream.indirect_vreg.gather [hbm4b:s2+s3], $0x80, v4, vm0, $0xb8;
	[tilespmem:$0x1C200] =	vst v63  }
0x264: {  	s16 =	simm.s32 $0xA00;
	v3 =	vperm.xlane v3, v2  }
0x265: {  	[tilespmem:s16], [sflag:$0x1] =	stream.indirect_vreg.gather [hbm4b:s5+s3], $0x80, v4, vm0, $0xb8;
	[tilespmem:$0x1C200] =	vst v63  }
0x266: {  	v3 =	vadd.s32 v1, v3;
	s16 =	simm.s32 $0x1200  }
0x267: {  	[tilespmem:s16], [sflag:$0x1] =	stream.indirect_vreg.gather [hbm4b:s6+s3], $0x80, v4, vm0, $0xb8;
	[tilespmem:$0x1C200] =	vst v63  }
0x268: {  	s16 =	simm.s32 $0x1A00  }
0x269: {  	[tilespmem:s16], [sflag:$0x1] =	stream.indirect_vreg.gather [hbm4b:s7+s3], $0x80, v4, vm0, $0xb8;
	[tilespmem:$0x1C200] =	vst v63  }
0x26a: {  	s16 =	simm.s32 $0x2200  }
0x26b: {  	[tilespmem:s16], [sflag:$0x1] =	stream.indirect_vreg.gather [hbm4b:s2+s3], $0x80, v3, vm0, $0xb8;
	[tilespmem:$0x1C200] =	vst v63  }
0x26c: {  	s16 =	simm.s32 $0x2A00  }
0x26d: {  	[tilespmem:s16], [sflag:$0x1] =	stream.indirect_vreg.gather [hbm4b:s5+s3], $0x80, v3, vm0, $0xb8;
	[tilespmem:$0x1C200] =	vst v63  }
0x26e: {  	s16 =	simm.s32 $0x3200  }
0x26f: {  	[tilespmem:s16], [sflag:$0x1] =	stream.indirect_vreg.gather [hbm4b:s6+s3], $0x80, v3, vm0, $0xb8;
	[tilespmem:$0x1C200] =	vst v63  }
0x270: {  	s16 =	simm.s32 $0x3A00  }
0x271: {  	[tilespmem:s16], [sflag:$0x1] =	stream.indirect_vreg.gather [hbm4b:s7+s3], $0x80, v3, vm0, $0xb8;
	[tilespmem:$0x1C200] =	vst v63  }
0x272: {  	_ =	swait.ge [sflag:s25], $0x4000  }
0x273: {  	[sflag:s25] =	ssyncset.done $0x0  }
0x274: {  	s16 =	rddreg [dreg:$0x14];
	[sflag:s25] =	ssyncadd.s32 $0xFFFFC000  }
0x275: {  	[hbm4b:s16+s3] =	stream.linear.scatter [tilespmem:s4], [sflag:$0xA], $0x4000, $0x38;
	[tilespmem:$0x1C200] =	vst v63  }
0x276: {  	_ =	swait.ge [sflag:s28], $0x4000  }
0x277: {  	[sflag:s28] =	ssyncset.done $0x0  }
0x278: {  	[sflag:s28] =	ssyncadd.s32 $0xFFFFC000  }
0x279: {  	v3 =	vld [tilespmem:$0x160];
	_ =	sdelay $0x4  }
0x27a: {  	v54 =	vshll.u32 v3, $0x3  }
0x27b: {  	v3 =	vand.u32 $0x7, v3;
	v4 =	vand.u32 $0xFFFFFFC0, v54  }
0x27c: {  	v3 =	vor.u32 v3, v4  }
0x27d: {  	v4 =	vperm.xlane v3, v0;
	_ =	sdelay $0x1  }
0x27e: {  	v4 =	vadd.s32 v1, v4;
	_ =	sdelay $0x4  }
0x27f: {  	[tilespmem:s26], [sflag:$0x2] =	stream.indirect_vreg.gather [hbm4b:s2+s3], $0x80, v4, vm0, $0xb8;
	[tilespmem:$0x1C200] =	vst v63  }
0x280: {  	s16 =	simm.s32 $0x4A00;
	v3 =	vperm.xlane v3, v2  }
0x281: {  	[tilespmem:s16], [sflag:$0x2] =	stream.indirect_vreg.gather [hbm4b:s5+s3], $0x80, v4, vm0, $0xb8;
	[tilespmem:$0x1C200] =	vst v63  }
0x282: {  	v3 =	vadd.s32 v1, v3;
	s16 =	simm.s32 $0x5200  }
0x283: {  	[tilespmem:s16], [sflag:$0x2] =	stream.indirect_vreg.gather [hbm4b:s6+s3], $0x80, v4, vm0, $0xb8;
	[tilespmem:$0x1C200] =	vst v63  }
0x284: {  	s16 =	simm.s32 $0x5A00  }
0x285: {  	[tilespmem:s16], [sflag:$0x2] =	stream.indirect_vreg.gather [hbm4b:s7+s3], $0x80, v4, vm0, $0xb8;
	[tilespmem:$0x1C200] =	vst v63  }
0x286: {  	s16 =	simm.s32 $0x6200  }
0x287: {  	[tilespmem:s16], [sflag:$0x2] =	stream.indirect_vreg.gather [hbm4b:s2+s3], $0x80, v3, vm0, $0xb8;
	[tilespmem:$0x1C200] =	vst v63  }
0x288: {  	s19 =	simm.s32 $0x6A00  }
0x289: {  	[tilespmem:s19], [sflag:$0x2] =	stream.indirect_vreg.gather [hbm4b:s5+s3], $0x80, v3, vm0, $0xb8;
	[tilespmem:$0x1C200] =	vst v63  }
0x28a: {  	s19 =	simm.s32 $0x7200  }
0x28b: {  	[tilespmem:s19], [sflag:$0x2] =	stream.indirect_vreg.gather [hbm4b:s6+s3], $0x80, v3, vm0, $0xb8;
	[tilespmem:$0x1C200] =	vst v63  }
0x28c: {  	s14 =	simm.s32 $0x7A00  }
0x28d: {  	[tilespmem:s14], [sflag:$0x2] =	stream.indirect_vreg.gather [hbm4b:s7+s3], $0x80, v3, vm0, $0xb8;
	[tilespmem:$0x1C200] =	vst v63  }
0x28e: {  	_ =	swait.ge [sflag:s29], $0x4000  }
0x28f: {  	[sflag:s29] =	ssyncset.done $0x0  }
0x290: {  	s14 =	rddreg [dreg:$0x15];
	[sflag:s29] =	ssyncadd.s32 $0xFFFFC000  }
0x291: {  	[hbm4b:s14+s3] =	stream.linear.scatter [tilespmem:s9], [sflag:$0xB], $0x4000, $0x38;
	[tilespmem:$0x1C200] =	vst v63  }
0x292: {  	_ =	swait.ge [sflag:s30], $0x4000  }
0x293: {  	[sflag:s30] =	ssyncset.done $0x0  }
0x294: {  	[sflag:s30] =	ssyncadd.s32 $0xFFFFC000  }
0x295: {  	v3 =	vld [tilespmem:$0x170];
	_ =	sdelay $0x4  }
0x296: {  	v55 =	vshll.u32 v3, $0x3  }
0x297: {  	v3 =	vand.u32 $0x7, v3;
	v4 =	vand.u32 $0xFFFFFFC0, v55  }
0x298: {  	v3 =	vor.u32 v3, v4  }
0x299: {  	v4 =	vperm.xlane v3, v0;
	_ =	sdelay $0x1  }
0x29a: {  	v4 =	vadd.s32 v1, v4;
	_ =	sdelay $0x4  }
0x29b: {  	[tilespmem:s4], [sflag:$0x3] =	stream.indirect_vreg.gather [hbm4b:s2+s3], $0x80, v4, vm0, $0xb8;
	[tilespmem:$0x1C200] =	vst v63  }
0x29c: {  	s14 =	simm.s32 $0x8A00;
	v3 =	vperm.xlane v3, v2  }
0x29d: {  	[tilespmem:s14], [sflag:$0x3] =	stream.indirect_vreg.gather [hbm4b:s5+s3], $0x80, v4, vm0, $0xb8;
	[tilespmem:$0x1C200] =	vst v63  }
0x29e: {  	v3 =	vadd.s32 v1, v3;
	s14 =	simm.s32 $0x9200  }
0x29f: {  	[tilespmem:s14], [sflag:$0x3] =	stream.indirect_vreg.gather [hbm4b:s6+s3], $0x80, v4, vm0, $0xb8;
	[tilespmem:$0x1C200] =	vst v63  }
0x2a0: {  	s14 =	simm.s32 $0x9A00  }
0x2a1: {  	[tilespmem:s14], [sflag:$0x3] =	stream.indirect_vreg.gather [hbm4b:s7+s3], $0x80, v4, vm0, $0xb8;
	[tilespmem:$0x1C200] =	vst v63  }
0x2a2: {  	s14 =	simm.s32 $0xA200  }
0x2a3: {  	[tilespmem:s14], [sflag:$0x3] =	stream.indirect_vreg.gather [hbm4b:s2+s3], $0x80, v3, vm0, $0xb8;
	[tilespmem:$0x1C200] =	vst v63  }
0x2a4: {  	s14 =	simm.s32 $0xAA00  }
0x2a5: {  	[tilespmem:s14], [sflag:$0x3] =	stream.indirect_vreg.gather [hbm4b:s5+s3], $0x80, v3, vm0, $0xb8;
	[tilespmem:$0x1C200] =	vst v63  }
0x2a6: {  	s14 =	simm.s32 $0xB200  }
0x2a7: {  	[tilespmem:s14], [sflag:$0x3] =	stream.indirect_vreg.gather [hbm4b:s6+s3], $0x80, v3, vm0, $0xb8;
	[tilespmem:$0x1C200] =	vst v63  }
0x2a8: {  	s14 =	simm.s32 $0xBA00  }
0x2a9: {  	[tilespmem:s14], [sflag:$0x3] =	stream.indirect_vreg.gather [hbm4b:s7+s3], $0x80, v3, vm0, $0xb8;
	[tilespmem:$0x1C200] =	vst v63  }
0x2aa: {  	_ =	swait.ge [sflag:s17], $0x4000  }
0x2ab: {  	[sflag:s17] =	ssyncset.done $0x0  }
0x2ac: {  	s14 =	rddreg [dreg:$0x16];
	[sflag:s17] =	ssyncadd.s32 $0xFFFFC000  }
0x2ad: {  	[hbm4b:s14+s3] =	stream.linear.scatter [tilespmem:s20], [sflag:$0xC], $0x4000, $0x38;
	[tilespmem:$0x1C200] =	vst v63  }
0x2ae: {  	_ =	swait.ge [sflag:s0], $0x4000  }
0x2af: {  	[sflag:s0] =	ssyncset.done $0x0  }
0x2b0: {  	[sflag:s0] =	ssyncadd.s32 $0xFFFFC000  }
0x2b1: {  	v3 =	vld [tilespmem:$0x180];
	_ =	sdelay $0x4  }
0x2b2: {  	v56 =	vshll.u32 v3, $0x3  }
0x2b3: {  	v3 =	vand.u32 $0x7, v3;
	v4 =	vand.u32 $0xFFFFFFC0, v56  }
0x2b4: {  	v3 =	vor.u32 v3, v4  }
0x2b5: {  	v4 =	vperm.xlane v3, v0;
	_ =	sdelay $0x1  }
0x2b6: {  	v4 =	vadd.s32 v1, v4;
	_ =	sdelay $0x4  }
0x2b7: {  	[tilespmem:s9], [sflag:$0x4] =	stream.indirect_vreg.gather [hbm4b:s2+s3], $0x80, v4, vm0, $0xb8;
	[tilespmem:$0x1C200] =	vst v63  }
0x2b8: {  	s14 =	simm.s32 $0xCA00;
	v3 =	vperm.xlane v3, v2  }
0x2b9: {  	[tilespmem:s14], [sflag:$0x4] =	stream.indirect_vreg.gather [hbm4b:s5+s3], $0x80, v4, vm0, $0xb8;
	[tilespmem:$0x1C200] =	vst v63  }
0x2ba: {  	v3 =	vadd.s32 v1, v3;
	s14 =	simm.s32 $0xD200  }
0x2bb: {  	[tilespmem:s14], [sflag:$0x4] =	stream.indirect_vreg.gather [hbm4b:s6+s3], $0x80, v4, vm0, $0xb8;
	[tilespmem:$0x1C200] =	vst v63  }
0x2bc: {  	s14 =	simm.s32 $0xDA00  }
0x2bd: {  	[tilespmem:s14], [sflag:$0x4] =	stream.indirect_vreg.gather [hbm4b:s7+s3], $0x80, v4, vm0, $0xb8;
	[tilespmem:$0x1C200] =	vst v63  }
0x2be: {  	s14 =	simm.s32 $0xE200  }
0x2bf: {  	[tilespmem:s14], [sflag:$0x4] =	stream.indirect_vreg.gather [hbm4b:s2+s3], $0x80, v3, vm0, $0xb8;
	[tilespmem:$0x1C200] =	vst v63  }
0x2c0: {  	s14 =	simm.s32 $0xEA00  }
0x2c1: {  	[tilespmem:s14], [sflag:$0x4] =	stream.indirect_vreg.gather [hbm4b:s5+s3], $0x80, v3, vm0, $0xb8;
	[tilespmem:$0x1C200] =	vst v63  }
0x2c2: {  	s14 =	simm.s32 $0xF200  }
0x2c3: {  	[tilespmem:s14], [sflag:$0x4] =	stream.indirect_vreg.gather [hbm4b:s6+s3], $0x80, v3, vm0, $0xb8;
	[tilespmem:$0x1C200] =	vst v63  }
0x2c4: {  	s14 =	simm.s32 $0xFA00  }
0x2c5: {  	[tilespmem:s14], [sflag:$0x4] =	stream.indirect_vreg.gather [hbm4b:s7+s3], $0x80, v3, vm0, $0xb8;
	[tilespmem:$0x1C200] =	vst v63  }
0x2c6: {  	_ =	swait.ge [sflag:s1], $0x4000  }
0x2c7: {  	[sflag:s1] =	ssyncset.done $0x0  }
0x2c8: {  	s14 =	rddreg [dreg:$0x17];
	[sflag:s1] =	ssyncadd.s32 $0xFFFFC000  }
0x2c9: {  	[hbm4b:s14+s3] =	stream.linear.scatter [tilespmem:s22], [sflag:$0xD], $0x4000, $0x38;
	[tilespmem:$0x1C200] =	vst v63  }
0x2ca: {  	_ =	swait.ge [sflag:s10], $0x4000  }
0x2cb: {  	[sflag:s10] =	ssyncset.done $0x0  }
0x2cc: {  	[sflag:s10] =	ssyncadd.s32 $0xFFFFC000  }
0x2cd: {  	v3 =	vld [tilespmem:$0x190];
	_ =	sdelay $0x4  }
0x2ce: {  	v57 =	vshll.u32 v3, $0x3  }
0x2cf: {  	v3 =	vand.u32 $0x7, v3;
	v4 =	vand.u32 $0xFFFFFFC0, v57  }
0x2d0: {  	v3 =	vor.u32 v3, v4  }
0x2d1: {  	v4 =	vperm.xlane v3, v0;
	_ =	sdelay $0x1  }
0x2d2: {  	v4 =	vadd.s32 v1, v4;
	_ =	sdelay $0x4  }
0x2d3: {  	[tilespmem:s20], [sflag:$0x5] =	stream.indirect_vreg.gather [hbm4b:s2+s3], $0x80, v4, vm0, $0xb8;
	[tilespmem:$0x1C200] =	vst v63  }
0x2d4: {  	s14 =	simm.s32 $0x10A00;
	v3 =	vperm.xlane v3, v2  }
0x2d5: {  	[tilespmem:s14], [sflag:$0x5] =	stream.indirect_vreg.gather [hbm4b:s5+s3], $0x80, v4, vm0, $0xb8;
	[tilespmem:$0x1C200] =	vst v63  }
0x2d6: {  	v3 =	vadd.s32 v1, v3;
	s14 =	simm.s32 $0x11200  }
0x2d7: {  	[tilespmem:s14], [sflag:$0x5] =	stream.indirect_vreg.gather [hbm4b:s6+s3], $0x80, v4, vm0, $0xb8;
	[tilespmem:$0x1C200] =	vst v63  }
0x2d8: {  	s14 =	simm.s32 $0x11A00  }
0x2d9: {  	[tilespmem:s14], [sflag:$0x5] =	stream.indirect_vreg.gather [hbm4b:s7+s3], $0x80, v4, vm0, $0xb8;
	[tilespmem:$0x1C200] =	vst v63  }
0x2da: {  	s14 =	simm.s32 $0x12200  }
0x2db: {  	[tilespmem:s14], [sflag:$0x5] =	stream.indirect_vreg.gather [hbm4b:s2+s3], $0x80, v3, vm0, $0xb8;
	[tilespmem:$0x1C200] =	vst v63  }
0x2dc: {  	s14 =	simm.s32 $0x12A00  }
0x2dd: {  	[tilespmem:s14], [sflag:$0x5] =	stream.indirect_vreg.gather [hbm4b:s5+s3], $0x80, v3, vm0, $0xb8;
	[tilespmem:$0x1C200] =	vst v63  }
0x2de: {  	s14 =	simm.s32 $0x13200  }
0x2df: {  	[tilespmem:s14], [sflag:$0x5] =	stream.indirect_vreg.gather [hbm4b:s6+s3], $0x80, v3, vm0, $0xb8;
	[tilespmem:$0x1C200] =	vst v63  }
0x2e0: {  	s14 =	simm.s32 $0x13A00  }
0x2e1: {  	[tilespmem:s14], [sflag:$0x5] =	stream.indirect_vreg.gather [hbm4b:s7+s3], $0x80, v3, vm0, $0xb8;
	[tilespmem:$0x1C200] =	vst v63  }
0x2e2: {  	_ =	swait.ge [sflag:s11], $0x4000  }
0x2e3: {  	[sflag:s11] =	ssyncset.done $0x0  }
0x2e4: {  	s14 =	rddreg [dreg:$0x18];
	[sflag:s11] =	ssyncadd.s32 $0xFFFFC000  }
0x2e5: {  	[hbm4b:s14+s3] =	stream.linear.scatter [tilespmem:s18], [sflag:$0xE], $0x4000, $0x38;
	[tilespmem:$0x1C200] =	vst v63  }
0x2e6: {  	_ =	swait.ge [sflag:s12], $0x4000  }
0x2e7: {  	[sflag:s12] =	ssyncset.done $0x0  }
0x2e8: {  	[sflag:s12] =	ssyncadd.s32 $0xFFFFC000  }
0x2e9: {  	v3 =	vld [tilespmem:$0x1A0];
	_ =	sdelay $0x4  }
0x2ea: {  	v58 =	vshll.u32 v3, $0x3  }
0x2eb: {  	v3 =	vand.u32 $0x7, v3;
	v4 =	vand.u32 $0xFFFFFFC0, v58  }
0x2ec: {  	v3 =	vor.u32 v3, v4  }
0x2ed: {  	v4 =	vperm.xlane v3, v0;
	_ =	sdelay $0x1  }
0x2ee: {  	v4 =	vadd.s32 v1, v4;
	_ =	sdelay $0x4  }
0x2ef: {  	[tilespmem:s22], [sflag:$0x6] =	stream.indirect_vreg.gather [hbm4b:s2+s3], $0x80, v4, vm0, $0xb8;
	[tilespmem:$0x1C200] =	vst v63  }
0x2f0: {  	s14 =	simm.s32 $0x14A00;
	v3 =	vperm.xlane v3, v2  }
0x2f1: {  	[tilespmem:s14], [sflag:$0x6] =	stream.indirect_vreg.gather [hbm4b:s5+s3], $0x80, v4, vm0, $0xb8;
	[tilespmem:$0x1C200] =	vst v63  }
0x2f2: {  	v3 =	vadd.s32 v1, v3;
	s14 =	simm.s32 $0x15200  }
0x2f3: {  	[tilespmem:s14], [sflag:$0x6] =	stream.indirect_vreg.gather [hbm4b:s6+s3], $0x80, v4, vm0, $0xb8;
	[tilespmem:$0x1C200] =	vst v63  }
0x2f4: {  	s14 =	simm.s32 $0x15A00  }
0x2f5: {  	[tilespmem:s14], [sflag:$0x6] =	stream.indirect_vreg.gather [hbm4b:s7+s3], $0x80, v4, vm0, $0xb8;
	[tilespmem:$0x1C200] =	vst v63  }
0x2f6: {  	s14 =	simm.s32 $0x16200  }
0x2f7: {  	[tilespmem:s14], [sflag:$0x6] =	stream.indirect_vreg.gather [hbm4b:s2+s3], $0x80, v3, vm0, $0xb8;
	[tilespmem:$0x1C200] =	vst v63  }
0x2f8: {  	s14 =	simm.s32 $0x16A00  }
0x2f9: {  	[tilespmem:s14], [sflag:$0x6] =	stream.indirect_vreg.gather [hbm4b:s5+s3], $0x80, v3, vm0, $0xb8;
	[tilespmem:$0x1C200] =	vst v63  }
0x2fa: {  	s14 =	simm.s32 $0x17200  }
0x2fb: {  	[tilespmem:s14], [sflag:$0x6] =	stream.indirect_vreg.gather [hbm4b:s6+s3], $0x80, v3, vm0, $0xb8;
	[tilespmem:$0x1C200] =	vst v63  }
0x2fc: {  	s14 =	simm.s32 $0x17A00  }
0x2fd: {  	[tilespmem:s14], [sflag:$0x6] =	stream.indirect_vreg.gather [hbm4b:s7+s3], $0x80, v3, vm0, $0xb8;
	[tilespmem:$0x1C200] =	vst v63  }
0x2fe: {  	_ =	swait.ge [sflag:s21], $0x4000  }
0x2ff: {  	[sflag:s21] =	ssyncset.done $0x0  }
0x300: {  	s14 =	rddreg [dreg:$0x19];
	[sflag:s21] =	ssyncadd.s32 $0xFFFFC000  }
0x301: {  	[hbm4b:s14+s3] =	stream.linear.scatter [tilespmem:s31], [sflag:$0x8], $0x4000, $0x38;
	[tilespmem:$0x1C200] =	vst v63  }
0x302: {  	_ =	swait.ge [sflag:s13], $0x4000  }
0x303: {  	[sflag:s13] =	ssyncset.done $0x0  }
0x304: {  	[sflag:s13] =	ssyncadd.s32 $0xFFFFC000  }
0x305: {  	v3 =	vld [tilespmem:$0x1B0];
	_ =	sdelay $0x4  }
0x306: {  	v59 =	vshll.u32 v3, $0x3  }
0x307: {  	v3 =	vand.u32 $0x7, v3;
	v4 =	vand.u32 $0xFFFFFFC0, v59  }
0x308: {  	v3 =	vor.u32 v3, v4  }
0x309: {  	v4 =	vperm.xlane v3, v0;
	_ =	sdelay $0x1  }
0x30a: {  	v4 =	vadd.s32 v1, v4;
	_ =	sdelay $0x4  }
0x30b: {  	[tilespmem:s18], [sflag:$0x7] =	stream.indirect_vreg.gather [hbm4b:s2+s3], $0x80, v4, vm0, $0xb8;
	[tilespmem:$0x1C200] =	vst v63  }
0x30c: {  	s14 =	simm.s32 $0x18A00;
	v3 =	vperm.xlane v3, v2  }
0x30d: {  	[tilespmem:s14], [sflag:$0x7] =	stream.indirect_vreg.gather [hbm4b:s5+s3], $0x80, v4, vm0, $0xb8;
	[tilespmem:$0x1C200] =	vst v63  }
0x30e: {  	s15 =	simm.s32 $0x19200;
	v3 =	vadd.s32 v1, v3  }
0x30f: {  	[tilespmem:s15], [sflag:$0x7] =	stream.indirect_vreg.gather [hbm4b:s6+s3], $0x80, v4, vm0, $0xb8;
	[tilespmem:$0x1C200] =	vst v63  }
0x310: {  	s15 =	simm.s32 $0x19A00  }
0x311: {  	[tilespmem:s15], [sflag:$0x7] =	stream.indirect_vreg.gather [hbm4b:s7+s3], $0x80, v4, vm0, $0xb8;
	[tilespmem:$0x1C200] =	vst v63  }
0x312: {  	s15 =	simm.s32 $0x1A200  }
0x313: {  	[tilespmem:s15], [sflag:$0x7] =	stream.indirect_vreg.gather [hbm4b:s2+s3], $0x80, v3, vm0, $0xb8;
	[tilespmem:$0x1C200] =	vst v63  }
0x314: {  	s15 =	simm.s32 $0x1AA00  }
0x315: {  	[tilespmem:s15], [sflag:$0x7] =	stream.indirect_vreg.gather [hbm4b:s5+s3], $0x80, v3, vm0, $0xb8;
	[tilespmem:$0x1C200] =	vst v63  }
0x316: {  	s15 =	simm.s32 $0x1B200  }
0x317: {  	[tilespmem:s15], [sflag:$0x7] =	stream.indirect_vreg.gather [hbm4b:s6+s3], $0x80, v3, vm0, $0xb8;
	[tilespmem:$0x1C200] =	vst v63  }
0x318: {  	s15 =	simm.s32 $0x1BA00  }
0x319: {  	[tilespmem:s15], [sflag:$0x7] =	stream.indirect_vreg.gather [hbm4b:s7+s3], $0x80, v3, vm0, $0xb8;
	[tilespmem:$0x1C200] =	vst v63  }
0x31a: {  	_ =	swait.ge [sflag:s23], $0x4000  }
0x31b: {  	[sflag:s23] =	ssyncset.done $0x0  }
0x31c: {  	s15 =	rddreg [dreg:$0x1a];
	[sflag:s23] =	ssyncadd.s32 $0xFFFFC000  }
0x31d: {  	[hbm4b:s15+s3] =	stream.linear.scatter [tilespmem:s26], [sflag:$0x9], $0x4000, $0x38;
	[tilespmem:$0x1C200] =	vst v63  }
0x31e: {  	_ =	swait.ge [sflag:s24], $0x4000  }
0x31f: {  	[sflag:s24] =	ssyncset.done $0x0  }
0x320: {  	[sflag:s24] =	ssyncadd.s32 $0xFFFFC000  }
0x321: {  	v3 =	vld [tilespmem:$0x1C0];
	_ =	sdelay $0x4  }
0x322: {  	v60 =	vshll.u32 v3, $0x3  }
0x323: {  	v3 =	vand.u32 $0x7, v3;
	v4 =	vand.u32 $0xFFFFFFC0, v60  }
0x324: {  	v3 =	vor.u32 v3, v4  }
0x325: {  	v4 =	vperm.xlane v3, v0;
	_ =	sdelay $0x1  }
0x326: {  	v4 =	vadd.s32 v1, v4;
	_ =	sdelay $0x4  }
0x327: {  	[tilespmem:s31], [sflag:$0x1] =	stream.indirect_vreg.gather [hbm4b:s2+s3], $0x80, v4, vm0, $0xb8;
	[tilespmem:$0x1C200] =	vst v63  }
0x328: {  	s15 =	simm.s32 $0xA00;
	v3 =	vperm.xlane v3, v2  }
0x329: {  	[tilespmem:s15], [sflag:$0x1] =	stream.indirect_vreg.gather [hbm4b:s5+s3], $0x80, v4, vm0, $0xb8;
	[tilespmem:$0x1C200] =	vst v63  }
0x32a: {  	v3 =	vadd.s32 v1, v3;
	s15 =	simm.s32 $0x1200  }
0x32b: {  	[tilespmem:s15], [sflag:$0x1] =	stream.indirect_vreg.gather [hbm4b:s6+s3], $0x80, v4, vm0, $0xb8;
	[tilespmem:$0x1C200] =	vst v63  }
0x32c: {  	s15 =	simm.s32 $0x1A00  }
0x32d: {  	[tilespmem:s15], [sflag:$0x1] =	stream.indirect_vreg.gather [hbm4b:s7+s3], $0x80, v4, vm0, $0xb8;
	[tilespmem:$0x1C200] =	vst v63  }
0x32e: {  	s15 =	simm.s32 $0x2200  }
0x32f: {  	[tilespmem:s15], [sflag:$0x1] =	stream.indirect_vreg.gather [hbm4b:s2+s3], $0x80, v3, vm0, $0xb8;
	[tilespmem:$0x1C200] =	vst v63  }
0x330: {  	s15 =	simm.s32 $0x2A00  }
0x331: {  	[tilespmem:s15], [sflag:$0x1] =	stream.indirect_vreg.gather [hbm4b:s5+s3], $0x80, v3, vm0, $0xb8;
	[tilespmem:$0x1C200] =	vst v63  }
0x332: {  	s15 =	simm.s32 $0x3200  }
0x333: {  	[tilespmem:s15], [sflag:$0x1] =	stream.indirect_vreg.gather [hbm4b:s6+s3], $0x80, v3, vm0, $0xb8;
	[tilespmem:$0x1C200] =	vst v63  }
0x334: {  	s15 =	simm.s32 $0x3A00  }
0x335: {  	[tilespmem:s15], [sflag:$0x1] =	stream.indirect_vreg.gather [hbm4b:s7+s3], $0x80, v3, vm0, $0xb8;
	[tilespmem:$0x1C200] =	vst v63  }
0x336: {  	_ =	swait.ge [sflag:s25], $0x4000  }
0x337: {  	[sflag:s25] =	ssyncset.done $0x0  }
0x338: {  	s15 =	rddreg [dreg:$0x1b];
	[sflag:s25] =	ssyncadd.s32 $0xFFFFC000  }
0x339: {  	[hbm4b:s15+s3] =	stream.linear.scatter [tilespmem:s4], [sflag:$0xA], $0x4000, $0x38;
	[tilespmem:$0x1C200] =	vst v63  }
0x33a: {  	_ =	swait.ge [sflag:s28], $0x4000  }
0x33b: {  	[sflag:s28] =	ssyncset.done $0x0  }
0x33c: {  	[sflag:s28] =	ssyncadd.s32 $0xFFFFC000  }
0x33d: {  	v3 =	vld [tilespmem:$0x1D0];
	_ =	sdelay $0x4  }
0x33e: {  	v61 =	vshll.u32 v3, $0x3  }
0x33f: {  	v3 =	vand.u32 $0x7, v3;
	v4 =	vand.u32 $0xFFFFFFC0, v61  }
0x340: {  	v3 =	vor.u32 v3, v4  }
0x341: {  	v4 =	vperm.xlane v3, v0;
	_ =	sdelay $0x1  }
0x342: {  	v4 =	vadd.s32 v1, v4;
	_ =	sdelay $0x4  }
0x343: {  	[tilespmem:s26], [sflag:$0x2] =	stream.indirect_vreg.gather [hbm4b:s2+s3], $0x80, v4, vm0, $0xb8;
	[tilespmem:$0x1C200] =	vst v63  }
0x344: {  	s15 =	simm.s32 $0x4A00;
	v3 =	vperm.xlane v3, v2  }
0x345: {  	[tilespmem:s15], [sflag:$0x2] =	stream.indirect_vreg.gather [hbm4b:s5+s3], $0x80, v4, vm0, $0xb8;
	[tilespmem:$0x1C200] =	vst v63  }
0x346: {  	v3 =	vadd.s32 v1, v3;
	s15 =	simm.s32 $0x5200  }
0x347: {  	[tilespmem:s15], [sflag:$0x2] =	stream.indirect_vreg.gather [hbm4b:s6+s3], $0x80, v4, vm0, $0xb8;
	[tilespmem:$0x1C200] =	vst v63  }
0x348: {  	s15 =	simm.s32 $0x5A00  }
0x349: {  	[tilespmem:s15], [sflag:$0x2] =	stream.indirect_vreg.gather [hbm4b:s7+s3], $0x80, v4, vm0, $0xb8;
	[tilespmem:$0x1C200] =	vst v63  }
0x34a: {  	s15 =	simm.s32 $0x6200  }
0x34b: {  	[tilespmem:s15], [sflag:$0x2] =	stream.indirect_vreg.gather [hbm4b:s2+s3], $0x80, v3, vm0, $0xb8;
	[tilespmem:$0x1C200] =	vst v63  }
0x34c: {  	s16 =	simm.s32 $0x6A00  }
0x34d: {  	[tilespmem:s16], [sflag:$0x2] =	stream.indirect_vreg.gather [hbm4b:s5+s3], $0x80, v3, vm0, $0xb8;
	[tilespmem:$0x1C200] =	vst v63  }
0x34e: {  	s19 =	simm.s32 $0x7200  }
0x34f: {  	[tilespmem:s19], [sflag:$0x2] =	stream.indirect_vreg.gather [hbm4b:s6+s3], $0x80, v3, vm0, $0xb8;
	[tilespmem:$0x1C200] =	vst v63  }
0x350: {  	s16 =	simm.s32 $0x7A00  }
0x351: {  	[tilespmem:s16], [sflag:$0x2] =	stream.indirect_vreg.gather [hbm4b:s7+s3], $0x80, v3, vm0, $0xb8;
	[tilespmem:$0x1C200] =	vst v63  }
0x352: {  	_ =	swait.ge [sflag:s29], $0x4000  }
0x353: {  	[sflag:s29] =	ssyncset.done $0x0  }
0x354: {  	s19 =	rddreg [dreg:$0x1c];
	[sflag:s29] =	ssyncadd.s32 $0xFFFFC000  }
0x355: {  	[hbm4b:s19+s3] =	stream.linear.scatter [tilespmem:s9], [sflag:$0xB], $0x4000, $0x38;
	[tilespmem:$0x1C200] =	vst v63  }
0x356: {  	_ =	swait.ge [sflag:s30], $0x4000  }
0x357: {  	[sflag:s30] =	ssyncset.done $0x0  }
0x358: {  	[sflag:s30] =	ssyncadd.s32 $0xFFFFC000  }
0x359: {  	v3 =	vld [tilespmem:$0x1E0];
	_ =	sdelay $0x4  }
0x35a: {  	v62 =	vshll.u32 v3, $0x3  }
0x35b: {  	v3 =	vand.u32 $0x7, v3;
	v4 =	vand.u32 $0xFFFFFFC0, v62  }
0x35c: {  	v3 =	vor.u32 v3, v4  }
0x35d: {  	v4 =	vperm.xlane v3, v0;
	_ =	sdelay $0x1  }
0x35e: {  	v4 =	vadd.s32 v1, v4;
	_ =	sdelay $0x4  }
0x35f: {  	[tilespmem:s4], [sflag:$0x3] =	stream.indirect_vreg.gather [hbm4b:s2+s3], $0x80, v4, vm0, $0xb8;
	[tilespmem:$0x1C200] =	vst v63  }
0x360: {  	s15 =	simm.s32 $0x8A00;
	v3 =	vperm.xlane v3, v2  }
0x361: {  	[tilespmem:s15], [sflag:$0x3] =	stream.indirect_vreg.gather [hbm4b:s5+s3], $0x80, v4, vm0, $0xb8;
	[tilespmem:$0x1C200] =	vst v63  }
0x362: {  	s16 =	simm.s32 $0x9200;
	v3 =	vadd.s32 v1, v3  }
0x363: {  	[tilespmem:s16], [sflag:$0x3] =	stream.indirect_vreg.gather [hbm4b:s6+s3], $0x80, v4, vm0, $0xb8;
	[tilespmem:$0x1C200] =	vst v63  }
0x364: {  	s19 =	simm.s32 $0x9A00  }
0x365: {  	[tilespmem:s19], [sflag:$0x3] =	stream.indirect_vreg.gather [hbm4b:s7+s3], $0x80, v4, vm0, $0xb8;
	[tilespmem:$0x1C200] =	vst v63  }
0x366: {  	s15 =	simm.s32 $0xA200  }
0x367: {  	[tilespmem:s15], [sflag:$0x3] =	stream.indirect_vreg.gather [hbm4b:s2+s3], $0x80, v3, vm0, $0xb8;
	[tilespmem:$0x1C200] =	vst v63  }
0x368: {  	s16 =	simm.s32 $0xAA00  }
0x369: {  	[tilespmem:s16], [sflag:$0x3] =	stream.indirect_vreg.gather [hbm4b:s5+s3], $0x80, v3, vm0, $0xb8;
	[tilespmem:$0x1C200] =	vst v63  }
0x36a: {  	s19 =	simm.s32 $0xB200  }
0x36b: {  	[tilespmem:s19], [sflag:$0x3] =	stream.indirect_vreg.gather [hbm4b:s6+s3], $0x80, v3, vm0, $0xb8;
	[tilespmem:$0x1C200] =	vst v63  }
0x36c: {  	s15 =	simm.s32 $0xBA00  }
0x36d: {  	[tilespmem:s15], [sflag:$0x3] =	stream.indirect_vreg.gather [hbm4b:s7+s3], $0x80, v3, vm0, $0xb8;
	[tilespmem:$0x1C200] =	vst v63  }
0x36e: {  	_ =	swait.ge [sflag:s17], $0x4000  }
0x36f: {  	[sflag:s17] =	ssyncset.done $0x0  }
0x370: {  	s16 =	rddreg [dreg:$0x1d];
	[sflag:s17] =	ssyncadd.s32 $0xFFFFC000  }
0x371: {  	[hbm4b:s16+s3] =	stream.linear.scatter [tilespmem:s20], [sflag:$0xC], $0x4000, $0x38;
	[tilespmem:$0x1C200] =	vst v63  }
0x372: {  	_ =	swait.ge [sflag:s0], $0x4000  }
0x373: {  	[sflag:s0] =	ssyncset.done $0x0  }
0x374: {  	[sflag:s0] =	ssyncadd.s32 $0xFFFFC000  }
0x375: {  	v3 =	vld [tilespmem:$0x1F0];
	_ =	sdelay $0x4  }
0x376: {  	v63 =	vshll.u32 v3, $0x3  }
0x377: {  	v3 =	vand.u32 $0x7, v3;
	v4 =	vand.u32 $0xFFFFFFC0, v63  }
0x378: {  	v3 =	vor.u32 v3, v4  }
0x379: {  	v4 =	vperm.xlane v3, v0;
	_ =	sdelay $0x1  }
0x37a: {  	v4 =	vadd.s32 v1, v4;
	_ =	sdelay $0x4  }
0x37b: {  	[tilespmem:s9], [sflag:$0x4] =	stream.indirect_vreg.gather [hbm4b:s2+s3], $0x80, v4, vm0, $0xb8;
	[tilespmem:$0x1C200] =	vst v63  }
0x37c: {  	s19 =	simm.s32 $0xCA00;
	v3 =	vperm.xlane v3, v2  }
0x37d: {  	[tilespmem:s19], [sflag:$0x4] =	stream.indirect_vreg.gather [hbm4b:s5+s3], $0x80, v4, vm0, $0xb8;
	[tilespmem:$0x1C200] =	vst v63  }
0x37e: {  	s15 =	simm.s32 $0xD200;
	v3 =	vadd.s32 v1, v3  }
0x37f: {  	[tilespmem:s15], [sflag:$0x4] =	stream.indirect_vreg.gather [hbm4b:s6+s3], $0x80, v4, vm0, $0xb8;
	[tilespmem:$0x1C200] =	vst v63  }
0x380: {  	s16 =	simm.s32 $0xDA00  }
0x381: {  	[tilespmem:s16], [sflag:$0x4] =	stream.indirect_vreg.gather [hbm4b:s7+s3], $0x80, v4, vm0, $0xb8;
	[tilespmem:$0x1C200] =	vst v63  }
0x382: {  	s19 =	simm.s32 $0xE200  }
0x383: {  	[tilespmem:s19], [sflag:$0x4] =	stream.indirect_vreg.gather [hbm4b:s2+s3], $0x80, v3, vm0, $0xb8;
	[tilespmem:$0x1C200] =	vst v63  }
0x384: {  	s15 =	simm.s32 $0xEA00  }
0x385: {  	[tilespmem:s15], [sflag:$0x4] =	stream.indirect_vreg.gather [hbm4b:s5+s3], $0x80, v3, vm0, $0xb8;
	[tilespmem:$0x1C200] =	vst v63  }
0x386: {  	s16 =	simm.s32 $0xF200  }
0x387: {  	[tilespmem:s16], [sflag:$0x4] =	stream.indirect_vreg.gather [hbm4b:s6+s3], $0x80, v3, vm0, $0xb8;
	[tilespmem:$0x1C200] =	vst v63  }
0x388: {  	s19 =	simm.s32 $0xFA00  }
0x389: {  	[tilespmem:s19], [sflag:$0x4] =	stream.indirect_vreg.gather [hbm4b:s7+s3], $0x80, v3, vm0, $0xb8;
	[tilespmem:$0x1C200] =	vst v63  }
0x38a: {  	_ =	swait.ge [sflag:s1], $0x4000  }
0x38b: {  	[sflag:s1] =	ssyncset.done $0x0  }
0x38c: {  	s15 =	rddreg [dreg:$0x1e];
	[sflag:s1] =	ssyncadd.s32 $0xFFFFC000  }
0x38d: {  	[hbm4b:s15+s3] =	stream.linear.scatter [tilespmem:s22], [sflag:$0xD], $0x4000, $0x38;
	[tilespmem:$0x1C200] =	vst v63  }
0x38e: {  	_ =	swait.ge [sflag:s11], $0x4000  }
0x38f: {  	[sflag:s11] =	ssyncset.done $0x0  }
0x390: {  	s16 =	rddreg [dreg:$0x1f];
	[sflag:s11] =	ssyncadd.s32 $0xFFFFC000  }
0x391: {  	[hbm4b:s16+s3] =	stream.linear.scatter [tilespmem:s18], [sflag:$0xE], $0x4000, $0x38;
	[tilespmem:$0x1C200] =	vst v63  }
0x392: {  	_ =	swait.ge [sflag:s21], $0x4000  }
0x393: {  	s19 =	sld [smem:$0x7F8]  }
0x394: {  	[sflag:s21] =	ssyncset.done $0x0  }
0x395: {  	[sflag:s21] =	ssyncadd.s32 $0xFFFFC000  }
0x396: {  	[hbm4b:s19+s3] =	stream.linear.scatter [tilespmem:s31], [sflag:$0x8], $0x4000, $0x38;
	[tilespmem:$0x1C200] =	vst v63  }
0x397: {  	_ =	swait.ge [sflag:s23], $0x4000  }
0x398: {  	s15 =	sld [smem:$0x7F9]  }
0x399: {  	[sflag:s23] =	ssyncset.done $0x0  }
0x39a: {  	[sflag:s23] =	ssyncadd.s32 $0xFFFFC000  }
0x39b: {  	[hbm4b:s15+s3] =	stream.linear.scatter [tilespmem:s26], [sflag:$0x9], $0x4000, $0x38;
	[tilespmem:$0x1C200] =	vst v63  }
0x39c: {  	_ =	swait.ge [sflag:s25], $0x4000  }
0x39d: {  	s16 =	sld [smem:$0x7FA]  }
0x39e: {  	[sflag:s25] =	ssyncset.done $0x0  }
0x39f: {  	[sflag:s25] =	ssyncadd.s32 $0xFFFFC000  }
0x3a0: {  	[hbm4b:s16+s3] =	stream.linear.scatter [tilespmem:s4], [sflag:$0xA], $0x4000, $0x38;
	[tilespmem:$0x1C200] =	vst v63  }
0x3a1: {  	_ =	swait.ge [sflag:s29], $0x4000  }
0x3a2: {  	s19 =	sld [smem:$0x7FC]  }
0x3a3: {  	[sflag:s29] =	ssyncset.done $0x0  }
0x3a4: {  	[sflag:s29] =	ssyncadd.s32 $0xFFFFC000  }
0x3a5: {  	[hbm4b:s19+s3] =	stream.linear.scatter [tilespmem:s9], [sflag:$0xB], $0x4000, $0x38;
	[tilespmem:$0x1C200] =	vst v63  }
0x3a6: {  	_ =	swait.ge [sflag:s10], $0x4000  }
0x3a7: {  	[sflag:s10] =	ssyncset.done $0x0  }
0x3a8: {  	[sflag:s10] =	ssyncadd.s32 $0xFFFFC000  }
0x3a9: {  	_ =	swait.ge [sflag:s12], $0x4000  }
0x3aa: {  	[sflag:s12] =	ssyncset.done $0x0  }
0x3ab: {  	[sflag:s12] =	ssyncadd.s32 $0xFFFFC000  }
0x3ac: {  	_ =	swait.ge [sflag:s13], $0x4000  }
0x3ad: {  	[sflag:s13] =	ssyncset.done $0x0  }
0x3ae: {  	[sflag:s13] =	ssyncadd.s32 $0xFFFFC000  }
0x3af: {  	_ =	swait.ge [sflag:s24], $0x4000  }
0x3b0: {  	[sflag:s24] =	ssyncset.done $0x0  }
0x3b1: {  	[sflag:s24] =	ssyncadd.s32 $0xFFFFC000  }
0x3b2: {  	_ =	swait.ge [sflag:s28], $0x4000  }
0x3b3: {  	[sflag:s28] =	ssyncset.done $0x0  }
0x3b4: {  	[sflag:s28] =	ssyncadd.s32 $0xFFFFC000  }
0x3b5: {  	p0 =	sne.s32 s8, $0x1;
	_ =	swait.ge [sflag:s30], $0x4000  }
.Ltmp0:
0x3b6: {  	[sflag:s30] =	ssyncset.done $0x0;
	(pc) =	sbr.rel @p0 .LBB2_1-.Ltmp0, $4  }
0x3b7: {  	[sflag:s30] =	ssyncadd.s32 $0xFFFFC000  }
0x3b8: {  	_ =	swait.ge [sflag:s0], $0x4000  }
0x3b9: {  	[sflag:s0] =	ssyncset.done $0x0  }
0x3ba: {  	s8 =	sadd.s32 $0xFFFFFFFF, s8;
	[sflag:s0] =	ssyncadd.s32 $0xFFFFC000  }
0x3bb: {  	_ =	sfence.sel $0x180000  }
0x3bc: {  	[bflag:$0x0] =	sbarrier.arrive $0xFFFF  }
0x3bd: {  	_ =	strace $0x90000047  }
0x3be: {  	s0 =	stileid.u32;
	[bflag:$0x2] =	sbarrier.arrive $0xFFFF  }
0x3bf: {  	p0 =	sne.s32 s0, $0x0;
	s0 =	rddreg [dreg:$0x3]  }
0x3c0: {  	s0 =	sadd.s32 @!p0 $0x100000, s0  }
0x3c1: {  	[sflag:s0] =	ssyncadd.tile.s32 @!p0 $0x1;
	_ =	shalt  }
.Lfunc_end2:
_tile_overlayer_lowered:
.L_overlay_start_2:
0x3c2: {  	(tag) =	ssettag $0x2  }
0x3c3: {  	s0 =	rddreg [dreg:$0x0];
	s2 =	stileid.u32  }
0x3c4: {  	s1 =	rddreg [dreg:$0x1];
	p0 =	sne.s32 s2, $0x0  }
0x3c5: {  	s3 =	rddreg [dreg:$0x2];
	[bflag:$0x3] =	sbarrier.arrive $0xFFFF;
	s2 =	simm.s32 @!p0 $0x1C0F  }
0x3c6: {  	[timem:s3], [sflag:s2] =	dma.local @!p0 [hbm:s0], s1  }
0x3c7: {  	s0 =	simm.s32 @!p0 $0xF  }
0x3c8: {  	_ =	swait.ge @!p0 [sflag:s0], s1  }
0x3c9: {  	s1 =	ssub.s32 @!p0 $0x0, s1;
	[sflag:s0] =	ssyncset.done @!p0 $0x0  }
0x3ca: {  	[sflag:s0] =	ssyncadd.s32 @!p0 s1  }
0x3cb: {  	[bflag:$0x3] =	sbarrier.arrive $0xFFFF  }
0x3cc: {  	_ =	shalt  }

</sc_bundles>
